<compile_context>
chip_gen: v7x
topology: tpu7x:2x2x1
jax: 0.10.2.dev20260603
libtpu: 0.0.44.dev20260713+nightly
codegen_flags: <defaults>
</compile_context>

<pallas_src>
import numpy as np
import jax
import jax.numpy as jnp
from jax.experimental import pallas as pl

EDGE_F = 256
NODE_F = 256
NUM_POS = 16
NUM_RBF = 16
TOP_K = 30

_RBF_SIG = 20.0 / NUM_RBF


def _fiota(shape, dim):
    return jax.lax.broadcasted_iota(jnp.int32, shape, dim).astype(jnp.float32)


def _freqs():
    i = _fiota((1, NUM_POS // 2), 1)
    return jnp.exp(i * jnp.float32(2.0 * -(np.log(10000.0) / NUM_POS)))


def _rbf_mu():
    i = _fiota((1, NUM_RBF), 1)
    return i * jnp.float32(20.0 / (NUM_RBF - 1))


def _vnorm(v, axis, eps=1e-12):
    n = jnp.sqrt(jnp.sum(v * v, axis=axis, keepdims=True))
    return v / jnp.maximum(n, eps)


def _cross_rows(a, b):
    return jnp.concatenate([
        a[1:2] * b[2:3] - a[2:3] * b[1:2],
        a[2:3] * b[0:1] - a[0:1] * b[2:3],
        a[0:1] * b[1:2] - a[1:2] * b[0:1],
    ], axis=0)


def _frames_kernel(xp_ref, wnT_ref, bn_ref, gn_ref, betan_ref,
                   vT_ref, oT_ref):
    x = xp_ref[0]
    L = x.shape[1]
    N = x[0:3]
    CA = x[3:6]
    C = x[6:9]

    N_CA = _vnorm(CA - N, axis=0)
    CA_C = _vnorm(C - CA, axis=0)
    n1 = _vnorm(_cross_rows(N_CA, CA_C), axis=0)
    bvec = _vnorm(CA_C - N_CA, axis=0)
    xax = _vnorm(_cross_rows(bvec, n1), axis=0)
    oT_ref[0] = jnp.concatenate([bvec, n1, xax], axis=0)

    Ua = N_CA
    Ub = CA_C
    Nn = jnp.concatenate([N[:, 1:], N[:, :1]], axis=1)
    Uc = _vnorm(Nn - C, axis=0)
    Ucm = jnp.concatenate([Uc[:, :1], Uc[:, :-1]], axis=1)
    Uap = jnp.concatenate([Ua[:, 1:], Ua[:, :1]], axis=1)

    nb_ab = _vnorm(_cross_rows(Ua, Ub), axis=0)
    nb_bc = _vnorm(_cross_rows(Ub, Uc), axis=0)
    nb_ca = _vnorm(_cross_rows(Uc, Uap), axis=0)
    nb_ma = _vnorm(_cross_rows(Ucm, Ua), axis=0)

    lane = _fiota((1, L), 1)
    first = lane < 0.5
    last = lane > (L - 1.5)

    def dih(nb2, nb1, u2, bad):
        cosd = jnp.clip(jnp.sum(nb2 * nb1, axis=0, keepdims=True),
                        -1.0 + 1e-7, 1.0 - 1e-7)
        sgn = jnp.sign(jnp.sum(u2 * nb1, axis=0, keepdims=True))
        cosv = jnp.where(bad, 1.0, jnp.where(sgn == 0.0, 1.0, cosd))
        sinv = jnp.where(bad, 0.0,
                         sgn * jnp.sqrt(jnp.maximum(1.0 - cosd * cosd, 0.0)))
        return cosv, sinv

    c0, s0 = dih(nb_ma, nb_ab, Ucm, first)
    c1, s1 = dih(nb_ab, nb_bc, Ua, last)
    c2, s2 = dih(nb_bc, nb_ca, Ub, last)

    vplanes = jnp.concatenate([c0, c1, c2, s0, s1, s2], axis=0)
    z = jnp.dot(wnT_ref[...], vplanes,
                preferred_element_type=jnp.float32, precision=jax.lax.Precision.HIGHEST) + bn_ref[...]
    mu = jnp.mean(z, axis=0, keepdims=True)
    var = jnp.mean((z - mu) ** 2, axis=0, keepdims=True)
    vT_ref[0] = ((z - mu) / jnp.sqrt(var + 1e-5)) * gn_ref[...] + betan_ref[...]


def _topk_kernel(rows_ref, plane_ref, dn_ref, ei_ref):
    rows = rows_ref[0]
    plane = plane_ref[0]
    RB = rows.shape[0]
    L = plane.shape[1]
    dx = rows[:, 0:1] - plane[0:1, :]
    dy = rows[:, 1:2] - plane[1:2, :]
    dz = rows[:, 2:3] - plane[2:3, :]
    d2 = dx * dx + dy * dy
    d2 = d2 + dz * dz
    cur = jnp.sqrt(d2 + 1e-6)
    iota = _fiota((RB, L), 1)
    big = jnp.float32(L)
    vals, idxs = [], []
    for _ in range(TOP_K):
        m = jnp.min(cur, axis=1, keepdims=True)
        idx = jnp.min(jnp.where(cur <= m, iota, big), axis=1, keepdims=True)
        vals.append(m)
        idxs.append(idx)
        cur = jnp.where(iota == idx, jnp.inf, cur)
    dn_ref[0] = jnp.concatenate(vals, axis=1)
    ei_ref[0] = jnp.concatenate(idxs, axis=1).astype(jnp.int32)


def _edge_kernel(eif_ref, dn_ref, ox_ref, oxr_ref, we_ref, be_ref,
                 ge_ref, betae_ref, e_ref, *, rc):
    eif = eif_ref[0]
    dn = dn_ref[0]
    ox = ox_ref[0]
    oxr = oxr_ref[0]
    L = ox.shape[0]
    EB = rc * TOP_K

    es = _fiota((EB, 1), 0)
    row_e = jnp.floor(es / jnp.float32(TOP_K))
    k_e = es - jnp.float32(TOP_K) * row_e
    rowhot = (row_e == _fiota((EB, rc), 1)
              ).astype(jnp.float32)
    khot = (k_e == _fiota((EB, TOP_K), 1)
            ).astype(jnp.float32)

    J = jnp.sum(jnp.dot(rowhot, eif, preferred_element_type=jnp.float32, precision=jax.lax.Precision.HIGHEST)
                * khot, axis=1, keepdims=True)
    D_e = jnp.sum(jnp.dot(rowhot, dn, preferred_element_type=jnp.float32, precision=jax.lax.Precision.HIGHEST)
                  * khot, axis=1, keepdims=True)
    rf = jnp.dot(rowhot, oxr, preferred_element_type=jnp.float32, precision=jax.lax.Precision.HIGHEST)

    onehot = (J == _fiota((EB, L), 1)
              ).astype(jnp.float32)
    g = jnp.dot(onehot, ox, preferred_element_type=jnp.float32, precision=jax.lax.Precision.HIGHEST)

    dxn = g[:, 9:12] - rf[:, 9:12]
    du = jnp.concatenate([
        jnp.sum(rf[:, 0:3] * dxn, axis=1, keepdims=True),
        jnp.sum(rf[:, 3:6] * dxn, axis=1, keepdims=True),
        jnp.sum(rf[:, 6:9] * dxn, axis=1, keepdims=True),
    ], axis=1)
    du = _vnorm(du, axis=1)

    def R(i, j):
        return (rf[:, i:i + 1] * g[:, j:j + 1]
                + rf[:, 3 + i:4 + i] * g[:, 3 + j:4 + j]
                + rf[:, 6 + i:7 + i] * g[:, 6 + j:7 + j])
    R00, R11, R22 = R(0, 0), R(1, 1), R(2, 2)
    mx = 0.5 * jnp.sqrt(jnp.abs(1.0 + R00 - R11 - R22 + 1e-10))
    my = 0.5 * jnp.sqrt(jnp.abs(1.0 - R00 + R11 - R22 + 1e-10))
    mz = 0.5 * jnp.sqrt(jnp.abs(1.0 - R00 - R11 + R22 + 1e-10))
    qx = jnp.sign(R(2, 1) - R(1, 2)) * mx
    qy = jnp.sign(R(0, 2) - R(2, 0)) * my
    qz = jnp.sign(R(1, 0) - R(0, 1)) * mz
    qw = jnp.sqrt(jax.nn.relu(1.0 + R00 + R11 + R22)) / 2.0
    q = _vnorm(jnp.concatenate([qx, qy, qz, qw], axis=1), axis=1)

    ii = row_e + jnp.float32(rc) * pl.program_id(1).astype(jnp.float32)
    ang = (J - ii) * _freqs()
    epos = jnp.concatenate([jnp.cos(ang), jnp.sin(ang)], axis=1)

    rbf = jnp.exp(-(((D_e - _rbf_mu()) / _RBF_SIG) ** 2))

    feat = jnp.concatenate([epos, rbf, du, q], axis=1)
    z = jnp.dot(feat, we_ref[...],
                preferred_element_type=jnp.float32, precision=jax.lax.Precision.HIGHEST) + be_ref[...]
    mu = jnp.mean(z, axis=1, keepdims=True)
    var = jnp.mean((z - mu) ** 2, axis=1, keepdims=True)
    e_ref[0] = ((z - mu) / jnp.sqrt(var + 1e-5)) * ge_ref[...] + betae_ref[...]


def kernel(X, mask, Wn, bn, gn, betan, We, be, ge, betae):
    del mask
    B, L = X.shape[0], X.shape[1]
    RB = 128 if L % 128 == 0 else L
    RC = 32 if L % 32 == 0 else L
    EB = RC * TOP_K

    Xp = jnp.transpose(X.reshape(B, L, 12), (0, 2, 1))
    Xca_rows = X[:, :, 1, :]
    CAp = Xp[:, 3:6, :]

    vT, oT = pl.pallas_call(
        _frames_kernel,
        grid=(B,),
        in_specs=[
            pl.BlockSpec((1, 12, L), lambda b: (b, 0, 0)),
            pl.BlockSpec((NODE_F, 6), lambda b: (0, 0)),
            pl.BlockSpec((NODE_F, 1), lambda b: (0, 0)),
            pl.BlockSpec((NODE_F, 1), lambda b: (0, 0)),
            pl.BlockSpec((NODE_F, 1), lambda b: (0, 0)),
        ],
        out_specs=[
            pl.BlockSpec((1, NODE_F, L), lambda b: (b, 0, 0)),
            pl.BlockSpec((1, 9, L), lambda b: (b, 0, 0)),
        ],
        out_shape=[
            jax.ShapeDtypeStruct((B, NODE_F, L), jnp.float32),
            jax.ShapeDtypeStruct((B, 9, L), jnp.float32),
        ],
    )(Xp, Wn.T, bn.reshape(NODE_F, 1), gn.reshape(NODE_F, 1),
      betan.reshape(NODE_F, 1))

    Dn, Ei = pl.pallas_call(
        _topk_kernel,
        grid=(B, L // RB),
        in_specs=[
            pl.BlockSpec((1, RB, 3), lambda b, i: (b, i, 0)),
            pl.BlockSpec((1, 3, L), lambda b, i: (b, 0, 0)),
        ],
        out_specs=[
            pl.BlockSpec((1, RB, TOP_K), lambda b, i: (b, i, 0)),
            pl.BlockSpec((1, RB, TOP_K), lambda b, i: (b, i, 0)),
        ],
        out_shape=[
            jax.ShapeDtypeStruct((B, L, TOP_K), jnp.float32),
            jax.ShapeDtypeStruct((B, L, TOP_K), jnp.int32),
        ],
    )(Xca_rows, CAp)

    OX = jnp.concatenate([jnp.transpose(oT, (0, 2, 1)), Xca_rows], axis=-1)

    import functools
    Eflat = pl.pallas_call(
        functools.partial(_edge_kernel, rc=RC),
        grid=(B, L // RC),
        in_specs=[
            pl.BlockSpec((1, RC, TOP_K), lambda b, i: (b, i, 0)),
            pl.BlockSpec((1, RC, TOP_K), lambda b, i: (b, i, 0)),
            pl.BlockSpec((1, L, 12), lambda b, i: (b, 0, 0)),
            pl.BlockSpec((1, RC, 12), lambda b, i: (b, i, 0)),
            pl.BlockSpec((NUM_POS + NUM_RBF + 7, EDGE_F), lambda b, i: (0, 0)),
            pl.BlockSpec((1, EDGE_F), lambda b, i: (0, 0)),
            pl.BlockSpec((1, EDGE_F), lambda b, i: (0, 0)),
            pl.BlockSpec((1, EDGE_F), lambda b, i: (0, 0)),
        ],
        out_specs=[pl.BlockSpec((1, EB, EDGE_F), lambda b, i: (b, i, 0))],
        out_shape=[jax.ShapeDtypeStruct((B, L * TOP_K, EDGE_F), jnp.float32)],
    )(Ei.astype(jnp.float32), Dn, OX, OX, We,
      be.reshape(1, EDGE_F), ge.reshape(1, EDGE_F), betae.reshape(1, EDGE_F))[0]

    V = jnp.transpose(vT, (0, 2, 1))
    E = Eflat.reshape(B, L, TOP_K, EDGE_F)
    return V, E, Ei

# --- scband reference (transcript-rebuilt; emitter-appended) ---
"""Pipeline reference for scband-protein-features-12335146074491 (READ-ONLY COPY).

The authoritative reference and input builder live on the scoring server;
editing this copy changes nothing except your own understanding.
"""

import jax, jax.numpy as jnp
import numpy as np

EDGE_F = 256
NODE_F = 256
NUM_POS = 16
NUM_RBF = 16
TOP_K = 30

def _normalize(v, axis=-1, eps=1e-12):
    n = jnp.sqrt(jnp.sum(v * v, axis=axis, keepdims=True))
    return v / jnp.maximum(n, eps)

def _layernorm(x, g, b, eps=1e-5):
    mu = jnp.mean(x, -1, keepdims=True)
    var = jnp.mean((x - mu) ** 2, -1, keepdims=True)
    return (x - mu) / jnp.sqrt(var + eps) * g + b

def _quaternions(R, eps=1e-10):
    diag = jnp.diagonal(R, axis1=-2, axis2=-1)
    Rxx, Ryy, Rzz = diag[..., 0], diag[..., 1], diag[..., 2]
    mags = 0.5 * jnp.sqrt(jnp.abs(1 + jnp.stack([Rxx - Ryy - Rzz, -Rxx + Ryy - Rzz, -Rxx - Ryy + Rzz], -1) + eps))
    signs = jnp.sign(jnp.stack([R[..., 2, 1] - R[..., 1, 2], R[..., 0, 2] - R[..., 2, 0], R[..., 1, 0] - R[..., 0, 1]], -1))
    xyz = signs * mags
    w = jnp.sqrt(jax.nn.relu(1 + jnp.sum(diag, -1, keepdims=True))) / 2.0
    return _normalize(jnp.concatenate((xyz, w), -1))

def _forward(X, mask, Wn, bn, gn, betan, We, be, ge, betae):
    B, L = X.shape[0], X.shape[1]
    X_ca = X[:, :, 1, :]
    # kNN extraction on CA coordinates
    mask_2D = mask[:, None, :] * mask[:, :, None]
    dXp = X_ca[:, None, :, :] - X_ca[:, :, None, :]
    D = mask_2D * jnp.sqrt(jnp.sum(dXp ** 2, -1) + 1e-6)
    D_max = jnp.max(D, -1, keepdims=True)
    D_adjust = D + (1.0 - mask_2D) * D_max
    negv, E_idx = jax.lax.top_k(-D_adjust, TOP_K)
    D_neighbors = -negv
    bi = jnp.arange(B)[:, None, None]
    # RBF edge features
    D_mu = jnp.linspace(0.0, 20.0, NUM_RBF)
    D_sigma = 20.0 / NUM_RBF
    RBF = jnp.exp(-(((D_neighbors[..., None] - D_mu) / D_sigma) ** 2))
    # backbone dihedral node features (dim 6)
    Xb = X[:, :, :3, :].reshape(B, 3 * L, 3)
    dXb = Xb[:, 1:] - Xb[:, :-1]
    U = _normalize(dXb)
    u_2, u_1, u_0 = U[:, :-2], U[:, 1:-1], U[:, 2:]
    nb_2 = _normalize(jnp.cross(u_2, u_1))
    nb_1 = _normalize(jnp.cross(u_1, u_0))
    cosDih = jnp.clip(jnp.sum(nb_2 * nb_1, -1), -1 + 1e-7, 1 - 1e-7)
    Dih = jnp.sign(jnp.sum(u_2 * nb_1, -1)) * jnp.arccos(cosDih)
    Dih = jnp.pad(Dih, ((0, 0), (1, 2))).reshape(B, L, 3)
    Vfeat = jnp.concatenate((jnp.cos(Dih), jnp.sin(Dih)), -1)
    # residue-frame relative orientation edge features (dim 7 = 3 + 4)
    N_CA = _normalize(X[:, :, 1, :] - X[:, :, 0, :])
    CA_C = _normalize(X[:, :, 2, :] - X[:, :, 1, :])
    n_1 = _normalize(jnp.cross(N_CA, CA_C))
    bvec = _normalize(CA_C - N_CA)
    xax = _normalize(jnp.cross(bvec, n_1))
    O = jnp.stack((bvec, n_1, xax), 2).reshape(B, L, 9)
    O_nb = O[bi, E_idx]
    X_nb = X_ca[bi, E_idx]
    Om = O.reshape(B, L, 3, 3)
    O_nbm = O_nb.reshape(B, L, TOP_K, 3, 3)
    dXn = X_nb - X_ca[:, :, None, :]
    dU = jnp.squeeze(jnp.matmul(Om[:, :, None], dXn[..., None]), -1)
    dU = _normalize(dU)
    R = jnp.matmul(jnp.swapaxes(Om[:, :, None], -1, -2), O_nbm)
    Q = _quaternions(R)
    O_features = jnp.concatenate((dU, Q), -1)
    # differential positional encodings (dim 16)
    ii = jnp.arange(L, dtype=jnp.float32)[None, :, None]
    dpos = (E_idx.astype(jnp.float32) - ii)[..., None]
    freq = jnp.exp(jnp.arange(0, NUM_POS, 2, dtype=jnp.float32) * -(np.log(10000.0) / NUM_POS))
    ang = dpos * freq
    E_pos = jnp.concatenate((jnp.cos(ang), jnp.sin(ang)), -1)
    E = jnp.concatenate((E_pos, RBF, O_features), -1)
    V = _layernorm(Vfeat @ Wn + bn, gn, betan)
    E = _layernorm(E @ We + be, ge, betae)
    return V, E, E_idx

def setup_inputs(seed: int = 0):
    key = jax.random.key(seed)
    ks = jax.random.split(key, 4)
    B, L = 8, 1024
    X = jax.random.normal(ks[0], (B, L, 4, 3), dtype=jnp.float32)
    mask = jnp.ones((B, L), dtype=jnp.float32)
    Wn = jax.random.normal(ks[1], (6, NODE_F), dtype=jnp.float32) * 0.1
    bn = jnp.zeros((NODE_F,), jnp.float32)
    gn = jnp.ones((NODE_F,), jnp.float32)
    betan = jnp.zeros((NODE_F,), jnp.float32)
    We = jax.random.normal(ks[2], (NUM_POS + NUM_RBF + 7, EDGE_F), dtype=jnp.float32) * 0.1
    be = jnp.zeros((EDGE_F,), jnp.float32)
    ge = jnp.ones((EDGE_F,), jnp.float32)
    betae = jnp.zeros((EDGE_F,), jnp.float32)
    return {"X": X, "mask": mask, "Wn": Wn, "bn": bn, "gn": gn, "betan": betan, "We": We, "be": be, "ge": ge, "betae": betae}

def reference(X, mask, Wn, bn, gn, betan, We, be, ge, betae):
    return _forward(X, mask, Wn, bn, gn, betan, We, be, ge, betae)

if __name__ == "__main__":
    import jax
    _d = setup_inputs()
    print(jax.jit(kernel)(*tuple(_d.values())))

</pallas_src>

<mosaic_0001>
module attributes {stable_mosaic.version = 14 : i64} {
  func.func @_frames_kernel(%arg0: i32, %arg1: memref<1x12x1024xf32, #tpu.memory_space<vmem>>, %arg2: memref<256x6xf32, #tpu.memory_space<vmem>>, %arg3: memref<256x1xf32, #tpu.memory_space<vmem>>, %arg4: memref<256x1xf32, #tpu.memory_space<vmem>>, %arg5: memref<256x1xf32, #tpu.memory_space<vmem>>, %arg6: memref<1x256x1024xf32, #tpu.memory_space<vmem>>, %arg7: memref<1x9x1024xf32, #tpu.memory_space<vmem>>) attributes {dimension_semantics = [#tpu.dimension_semantics<arbitrary>], iteration_bounds = array<i64: 8>, scalar_prefetch = 0 : i64, scratch_operands = 0 : i64, tpu.core_type = #tpu.core_type<tc>, window_params = [{transform_indices = @transform_0, window_bounds = array<i64: 1, 12, 1024>}, {pipeline_mode = #tpu.pipeline_mode<synchronous>, transform_indices = @transform_1, window_bounds = array<i64: 256, 6>}, {pipeline_mode = #tpu.pipeline_mode<synchronous>, transform_indices = @transform_2, window_bounds = array<i64: 256, 1>}, {pipeline_mode = #tpu.pipeline_mode<synchronous>, transform_indices = @transform_3, window_bounds = array<i64: 256, 1>}, {pipeline_mode = #tpu.pipeline_mode<synchronous>, transform_indices = @transform_4, window_bounds = array<i64: 256, 1>}, {transform_indices = @transform_5, window_bounds = array<i64: 1, 256, 1024>}, {transform_indices = @transform_6, window_bounds = array<i64: 1, 9, 1024>}]} {
    %get3A = arith.constant 0 : index
    %get3A_0 = arith.constant 0 : index
    %get3A_1 = arith.constant 0 : index
    %get3A_2 = vector.load %arg1[%get3A, %get3A_0, %get3A_1] : memref<1x12x1024xf32, #tpu.memory_space<vmem>>, vector<1x12x1024xf32>
    %get3A_3 = vector.shape_cast %get3A_2 : vector<1x12x1024xf32> to vector<12x1024xf32>
    %slice3A = vector.extract_strided_slice %get3A_3 {offsets = [0, 0], sizes = [3, 1024], strides = [1, 1]} : vector<12x1024xf32> to vector<3x1024xf32>
    %slice3A_4 = vector.extract_strided_slice %get3A_3 {offsets = [3, 0], sizes = [3, 1024], strides = [1, 1]} : vector<12x1024xf32> to vector<3x1024xf32>
    %slice3A_5 = vector.extract_strided_slice %get3A_3 {offsets = [6, 0], sizes = [3, 1024], strides = [1, 1]} : vector<12x1024xf32> to vector<3x1024xf32>
    %sub3A = arith.subf %slice3A_4, %slice3A : vector<3x1024xf32>
    %mul3A = arith.mulf %sub3A, %sub3A : vector<3x1024xf32>
    %reduce_sum3A = arith.constant dense<0.000000e+00> : vector<1024xf32>
    %reduce_sum3A_6 = vector.multi_reduction <add>, %mul3A, %reduce_sum3A [0] : vector<3x1024xf32> to vector<1024xf32>
    %broadcast_in_dim3A = vector.shape_cast %reduce_sum3A_6 : vector<1024xf32> to vector<1x1024xf32>
    %sqrt3A = math.sqrt %broadcast_in_dim3A : vector<1x1024xf32>
    %max3A = arith.constant 9.99999996E-13 : f32
    %max3A_7 = vector.broadcast %max3A : f32 to vector<1x1024xf32>
    %max3A_8 = arith.maximumf %sqrt3A, %max3A_7 : vector<1x1024xf32>
    %div3A = vector.broadcast %max3A_8 : vector<1x1024xf32> to vector<3x1024xf32>
    %div3A_9 = arith.divf %sub3A, %div3A : vector<3x1024xf32>
    %sub3A_10 = arith.subf %slice3A_5, %slice3A_4 : vector<3x1024xf32>
    %mul3A_11 = arith.mulf %sub3A_10, %sub3A_10 : vector<3x1024xf32>
    %reduce_sum3A_12 = arith.constant dense<0.000000e+00> : vector<1024xf32>
    %reduce_sum3A_13 = vector.multi_reduction <add>, %mul3A_11, %reduce_sum3A_12 [0] : vector<3x1024xf32> to vector<1024xf32>
    %broadcast_in_dim3A_14 = vector.shape_cast %reduce_sum3A_13 : vector<1024xf32> to vector<1x1024xf32>
    %sqrt3A_15 = math.sqrt %broadcast_in_dim3A_14 : vector<1x1024xf32>
    %max3A_16 = arith.constant 9.99999996E-13 : f32
    %max3A_17 = vector.broadcast %max3A_16 : f32 to vector<1x1024xf32>
    %max3A_18 = arith.maximumf %sqrt3A_15, %max3A_17 : vector<1x1024xf32>
    %div3A_19 = vector.broadcast %max3A_18 : vector<1x1024xf32> to vector<3x1024xf32>
    %div3A_20 = arith.divf %sub3A_10, %div3A_19 : vector<3x1024xf32>
    %slice3A_21 = vector.extract_strided_slice %div3A_9 {offsets = [1, 0], sizes = [1, 1024], strides = [1, 1]} : vector<3x1024xf32> to vector<1x1024xf32>
    %slice3A_22 = vector.extract_strided_slice %div3A_20 {offsets = [2, 0], sizes = [1, 1024], strides = [1, 1]} : vector<3x1024xf32> to vector<1x1024xf32>
    %mul3A_23 = arith.mulf %slice3A_21, %slice3A_22 : vector<1x1024xf32>
    %slice3A_24 = vector.extract_strided_slice %div3A_9 {offsets = [2, 0], sizes = [1, 1024], strides = [1, 1]} : vector<3x1024xf32> to vector<1x1024xf32>
    %slice3A_25 = vector.extract_strided_slice %div3A_20 {offsets = [1, 0], sizes = [1, 1024], strides = [1, 1]} : vector<3x1024xf32> to vector<1x1024xf32>
    %mul3A_26 = arith.mulf %slice3A_24, %slice3A_25 : vector<1x1024xf32>
    %sub3A_27 = arith.subf %mul3A_23, %mul3A_26 : vector<1x1024xf32>
    %slice3A_28 = vector.extract_strided_slice %div3A_9 {offsets = [2, 0], sizes = [1, 1024], strides = [1, 1]} : vector<3x1024xf32> to vector<1x1024xf32>
    %slice3A_29 = vector.extract_strided_slice %div3A_20 {offsets = [0, 0], sizes = [1, 1024], strides = [1, 1]} : vector<3x1024xf32> to vector<1x1024xf32>
    %mul3A_30 = arith.mulf %slice3A_28, %slice3A_29 : vector<1x1024xf32>
    %slice3A_31 = vector.extract_strided_slice %div3A_9 {offsets = [0, 0], sizes = [1, 1024], strides = [1, 1]} : vector<3x1024xf32> to vector<1x1024xf32>
    %slice3A_32 = vector.extract_strided_slice %div3A_20 {offsets = [2, 0], sizes = [1, 1024], strides = [1, 1]} : vector<3x1024xf32> to vector<1x1024xf32>
    %mul3A_33 = arith.mulf %slice3A_31, %slice3A_32 : vector<1x1024xf32>
    %sub3A_34 = arith.subf %mul3A_30, %mul3A_33 : vector<1x1024xf32>
    %slice3A_35 = vector.extract_strided_slice %div3A_9 {offsets = [0, 0], sizes = [1, 1024], strides = [1, 1]} : vector<3x1024xf32> to vector<1x1024xf32>
    %slice3A_36 = vector.extract_strided_slice %div3A_20 {offsets = [1, 0], sizes = [1, 1024], strides = [1, 1]} : vector<3x1024xf32> to vector<1x1024xf32>
    %mul3A_37 = arith.mulf %slice3A_35, %slice3A_36 : vector<1x1024xf32>
    %slice3A_38 = vector.extract_strided_slice %div3A_9 {offsets = [1, 0], sizes = [1, 1024], strides = [1, 1]} : vector<3x1024xf32> to vector<1x1024xf32>
    %slice3A_39 = vector.extract_strided_slice %div3A_20 {offsets = [0, 0], sizes = [1, 1024], strides = [1, 1]} : vector<3x1024xf32> to vector<1x1024xf32>
    %mul3A_40 = arith.mulf %slice3A_38, %slice3A_39 : vector<1x1024xf32>
    %sub3A_41 = arith.subf %mul3A_37, %mul3A_40 : vector<1x1024xf32>
    %concatenate3A = tpu.concatenate %sub3A_27, %sub3A_34, %sub3A_41 in 0 : vector<1x1024xf32>, vector<1x1024xf32>, vector<1x1024xf32> -> vector<3x1024xf32>
    %mul3A_42 = arith.mulf %concatenate3A, %concatenate3A : vector<3x1024xf32>
    %reduce_sum3A_43 = arith.constant dense<0.000000e+00> : vector<1024xf32>
    %reduce_sum3A_44 = vector.multi_reduction <add>, %mul3A_42, %reduce_sum3A_43 [0] : vector<3x1024xf32> to vector<1024xf32>
    %broadcast_in_dim3A_45 = vector.shape_cast %reduce_sum3A_44 : vector<1024xf32> to vector<1x1024xf32>
    %sqrt3A_46 = math.sqrt %broadcast_in_dim3A_45 : vector<1x1024xf32>
    %max3A_47 = arith.constant 9.99999996E-13 : f32
    %max3A_48 = vector.broadcast %max3A_47 : f32 to vector<1x1024xf32>
    %max3A_49 = arith.maximumf %sqrt3A_46, %max3A_48 : vector<1x1024xf32>
    %div3A_50 = vector.broadcast %max3A_49 : vector<1x1024xf32> to vector<3x1024xf32>
    %div3A_51 = arith.divf %concatenate3A, %div3A_50 : vector<3x1024xf32>
    %sub3A_52 = arith.subf %div3A_20, %div3A_9 : vector<3x1024xf32>
    %mul3A_53 = arith.mulf %sub3A_52, %sub3A_52 : vector<3x1024xf32>
    %reduce_sum3A_54 = arith.constant dense<0.000000e+00> : vector<1024xf32>
    %reduce_sum3A_55 = vector.multi_reduction <add>, %mul3A_53, %reduce_sum3A_54 [0] : vector<3x1024xf32> to vector<1024xf32>
    %broadcast_in_dim3A_56 = vector.shape_cast %reduce_sum3A_55 : vector<1024xf32> to vector<1x1024xf32>
    %sqrt3A_57 = math.sqrt %broadcast_in_dim3A_56 : vector<1x1024xf32>
    %max3A_58 = arith.constant 9.99999996E-13 : f32
    %max3A_59 = vector.broadcast %max3A_58 : f32 to vector<1x1024xf32>
    %max3A_60 = arith.maximumf %sqrt3A_57, %max3A_59 : vector<1x1024xf32>
    %div3A_61 = vector.broadcast %max3A_60 : vector<1x1024xf32> to vector<3x1024xf32>
    %div3A_62 = arith.divf %sub3A_52, %div3A_61 : vector<3x1024xf32>
    %slice3A_63 = vector.extract_strided_slice %div3A_62 {offsets = [1, 0], sizes = [1, 1024], strides = [1, 1]} : vector<3x1024xf32> to vector<1x1024xf32>
    %slice3A_64 = vector.extract_strided_slice %div3A_51 {offsets = [2, 0], sizes = [1, 1024], strides = [1, 1]} : vector<3x1024xf32> to vector<1x1024xf32>
    %mul3A_65 = arith.mulf %slice3A_63, %slice3A_64 : vector<1x1024xf32>
    %slice3A_66 = vector.extract_strided_slice %div3A_62 {offsets = [2, 0], sizes = [1, 1024], strides = [1, 1]} : vector<3x1024xf32> to vector<1x1024xf32>
    %slice3A_67 = vector.extract_strided_slice %div3A_51 {offsets = [1, 0], sizes = [1, 1024], strides = [1, 1]} : vector<3x1024xf32> to vector<1x1024xf32>
    %mul3A_68 = arith.mulf %slice3A_66, %slice3A_67 : vector<1x1024xf32>
    %sub3A_69 = arith.subf %mul3A_65, %mul3A_68 : vector<1x1024xf32>
    %slice3A_70 = vector.extract_strided_slice %div3A_62 {offsets = [2, 0], sizes = [1, 1024], strides = [1, 1]} : vector<3x1024xf32> to vector<1x1024xf32>
    %slice3A_71 = vector.extract_strided_slice %div3A_51 {offsets = [0, 0], sizes = [1, 1024], strides = [1, 1]} : vector<3x1024xf32> to vector<1x1024xf32>
    %mul3A_72 = arith.mulf %slice3A_70, %slice3A_71 : vector<1x1024xf32>
    %slice3A_73 = vector.extract_strided_slice %div3A_62 {offsets = [0, 0], sizes = [1, 1024], strides = [1, 1]} : vector<3x1024xf32> to vector<1x1024xf32>
    %slice3A_74 = vector.extract_strided_slice %div3A_51 {offsets = [2, 0], sizes = [1, 1024], strides = [1, 1]} : vector<3x1024xf32> to vector<1x1024xf32>
    %mul3A_75 = arith.mulf %slice3A_73, %slice3A_74 : vector<1x1024xf32>
    %sub3A_76 = arith.subf %mul3A_72, %mul3A_75 : vector<1x1024xf32>
    %slice3A_77 = vector.extract_strided_slice %div3A_62 {offsets = [0, 0], sizes = [1, 1024], strides = [1, 1]} : vector<3x1024xf32> to vector<1x1024xf32>
    %slice3A_78 = vector.extract_strided_slice %div3A_51 {offsets = [1, 0], sizes = [1, 1024], strides = [1, 1]} : vector<3x1024xf32> to vector<1x1024xf32>
    %mul3A_79 = arith.mulf %slice3A_77, %slice3A_78 : vector<1x1024xf32>
    %slice3A_80 = vector.extract_strided_slice %div3A_62 {offsets = [1, 0], sizes = [1, 1024], strides = [1, 1]} : vector<3x1024xf32> to vector<1x1024xf32>
    %slice3A_81 = vector.extract_strided_slice %div3A_51 {offsets = [0, 0], sizes = [1, 1024], strides = [1, 1]} : vector<3x1024xf32> to vector<1x1024xf32>
    %mul3A_82 = arith.mulf %slice3A_80, %slice3A_81 : vector<1x1024xf32>
    %sub3A_83 = arith.subf %mul3A_79, %mul3A_82 : vector<1x1024xf32>
    %concatenate3A_84 = tpu.concatenate %sub3A_69, %sub3A_76, %sub3A_83 in 0 : vector<1x1024xf32>, vector<1x1024xf32>, vector<1x1024xf32> -> vector<3x1024xf32>
    %mul3A_85 = arith.mulf %concatenate3A_84, %concatenate3A_84 : vector<3x1024xf32>
    %reduce_sum3A_86 = arith.constant dense<0.000000e+00> : vector<1024xf32>
    %reduce_sum3A_87 = vector.multi_reduction <add>, %mul3A_85, %reduce_sum3A_86 [0] : vector<3x1024xf32> to vector<1024xf32>
    %broadcast_in_dim3A_88 = vector.shape_cast %reduce_sum3A_87 : vector<1024xf32> to vector<1x1024xf32>
    %sqrt3A_89 = math.sqrt %broadcast_in_dim3A_88 : vector<1x1024xf32>
    %max3A_90 = arith.constant 9.99999996E-13 : f32
    %max3A_91 = vector.broadcast %max3A_90 : f32 to vector<1x1024xf32>
    %max3A_92 = arith.maximumf %sqrt3A_89, %max3A_91 : vector<1x1024xf32>
    %div3A_93 = vector.broadcast %max3A_92 : vector<1x1024xf32> to vector<3x1024xf32>
    %div3A_94 = arith.divf %concatenate3A_84, %div3A_93 : vector<3x1024xf32>
    %concatenate3A_95 = tpu.concatenate %div3A_62, %div3A_51, %div3A_94 in 0 : vector<3x1024xf32>, vector<3x1024xf32>, vector<3x1024xf32> -> vector<9x1024xf32>
    %swap3A = arith.constant 0 : index
    %swap3A_96 = arith.constant 0 : index
    %swap3A_97 = arith.constant 0 : index
    %swap3A_98 = vector.load %arg7[%swap3A, %swap3A_96, %swap3A_97] : memref<1x9x1024xf32, #tpu.memory_space<vmem>>, vector<1x9x1024xf32>
    %swap3A_99 = vector.shape_cast %swap3A_98 : vector<1x9x1024xf32> to vector<9x1024xf32>
    %swap3A_100 = vector.shape_cast %concatenate3A_95 : vector<9x1024xf32> to vector<1x9x1024xf32>
    tpu.vector_store %arg7[%swap3A, %swap3A_96, %swap3A_97], %swap3A_100 {strides = array<i32>} : memref<1x9x1024xf32, #tpu.memory_space<vmem>>, vector<1x9x1024xf32>,
    %slice3A_101 = vector.extract_strided_slice %slice3A {offsets = [0, 1], sizes = [3, 1023], strides = [1, 1]} : vector<3x1024xf32> to vector<3x1023xf32>
    %slice3A_102 = vector.extract_strided_slice %slice3A {offsets = [0, 0], sizes = [3, 1], strides = [1, 1]} : vector<3x1024xf32> to vector<3x1xf32>
    %concatenate3A_103 = tpu.concatenate %slice3A_101, %slice3A_102 in 1 : vector<3x1023xf32>, vector<3x1xf32> -> vector<3x1024xf32>
    %sub3A_104 = arith.subf %concatenate3A_103, %slice3A_5 : vector<3x1024xf32>
    %mul3A_105 = arith.mulf %sub3A_104, %sub3A_104 : vector<3x1024xf32>
    %reduce_sum3A_106 = arith.constant dense<0.000000e+00> : vector<1024xf32>
    %reduce_sum3A_107 = vector.multi_reduction <add>, %mul3A_105, %reduce_sum3A_106 [0] : vector<3x1024xf32> to vector<1024xf32>
    %broadcast_in_dim3A_108 = vector.shape_cast %reduce_sum3A_107 : vector<1024xf32> to vector<1x1024xf32>
    %sqrt3A_109 = math.sqrt %broadcast_in_dim3A_108 : vector<1x1024xf32>
    %max3A_110 = arith.constant 9.99999996E-13 : f32
    %max3A_111 = vector.broadcast %max3A_110 : f32 to vector<1x1024xf32>
    %max3A_112 = arith.maximumf %sqrt3A_109, %max3A_111 : vector<1x1024xf32>
    %div3A_113 = vector.broadcast %max3A_112 : vector<1x1024xf32> to vector<3x1024xf32>
    %div3A_114 = arith.divf %sub3A_104, %div3A_113 : vector<3x1024xf32>
    %slice3A_115 = vector.extract_strided_slice %div3A_114 {offsets = [0, 0], sizes = [3, 1], strides = [1, 1]} : vector<3x1024xf32> to vector<3x1xf32>
    %slice3A_116 = vector.extract_strided_slice %div3A_114 {offsets = [0, 0], sizes = [3, 1023], strides = [1, 1]} : vector<3x1024xf32> to vector<3x1023xf32>
    %concatenate3A_117 = tpu.concatenate %slice3A_115, %slice3A_116 in 1 : vector<3x1xf32>, vector<3x1023xf32> -> vector<3x1024xf32>
    %slice3A_118 = vector.extract_strided_slice %div3A_9 {offsets = [0, 1], sizes = [3, 1023], strides = [1, 1]} : vector<3x1024xf32> to vector<3x1023xf32>
    %slice3A_119 = vector.extract_strided_slice %div3A_9 {offsets = [0, 0], sizes = [3, 1], strides = [1, 1]} : vector<3x1024xf32> to vector<3x1xf32>
    %concatenate3A_120 = tpu.concatenate %slice3A_118, %slice3A_119 in 1 : vector<3x1023xf32>, vector<3x1xf32> -> vector<3x1024xf32>
    %slice3A_121 = vector.extract_strided_slice %div3A_9 {offsets = [1, 0], sizes = [1, 1024], strides = [1, 1]} : vector<3x1024xf32> to vector<1x1024xf32>
    %slice3A_122 = vector.extract_strided_slice %div3A_20 {offsets = [2, 0], sizes = [1, 1024], strides = [1, 1]} : vector<3x1024xf32> to vector<1x1024xf32>
    %mul3A_123 = arith.mulf %slice3A_121, %slice3A_122 : vector<1x1024xf32>
    %slice3A_124 = vector.extract_strided_slice %div3A_9 {offsets = [2, 0], sizes = [1, 1024], strides = [1, 1]} : vector<3x1024xf32> to vector<1x1024xf32>
    %slice3A_125 = vector.extract_strided_slice %div3A_20 {offsets = [1, 0], sizes = [1, 1024], strides = [1, 1]} : vector<3x1024xf32> to vector<1x1024xf32>
    %mul3A_126 = arith.mulf %slice3A_124, %slice3A_125 : vector<1x1024xf32>
    %sub3A_127 = arith.subf %mul3A_123, %mul3A_126 : vector<1x1024xf32>
    %slice3A_128 = vector.extract_strided_slice %div3A_9 {offsets = [2, 0], sizes = [1, 1024], strides = [1, 1]} : vector<3x1024xf32> to vector<1x1024xf32>
    %slice3A_129 = vector.extract_strided_slice %div3A_20 {offsets = [0, 0], sizes = [1, 1024], strides = [1, 1]} : vector<3x1024xf32> to vector<1x1024xf32>
    %mul3A_130 = arith.mulf %slice3A_128, %slice3A_129 : vector<1x1024xf32>
    %slice3A_131 = vector.extract_strided_slice %div3A_9 {offsets = [0, 0], sizes = [1, 1024], strides = [1, 1]} : vector<3x1024xf32> to vector<1x1024xf32>
    %slice3A_132 = vector.extract_strided_slice %div3A_20 {offsets = [2, 0], sizes = [1, 1024], strides = [1, 1]} : vector<3x1024xf32> to vector<1x1024xf32>
    %mul3A_133 = arith.mulf %slice3A_131, %slice3A_132 : vector<1x1024xf32>
    %sub3A_134 = arith.subf %mul3A_130, %mul3A_133 : vector<1x1024xf32>
    %slice3A_135 = vector.extract_strided_slice %div3A_9 {offsets = [0, 0], sizes = [1, 1024], strides = [1, 1]} : vector<3x1024xf32> to vector<1x1024xf32>
    %slice3A_136 = vector.extract_strided_slice %div3A_20 {offsets = [1, 0], sizes = [1, 1024], strides = [1, 1]} : vector<3x1024xf32> to vector<1x1024xf32>
    %mul3A_137 = arith.mulf %slice3A_135, %slice3A_136 : vector<1x1024xf32>
    %slice3A_138 = vector.extract_strided_slice %div3A_9 {offsets = [1, 0], sizes = [1, 1024], strides = [1, 1]} : vector<3x1024xf32> to vector<1x1024xf32>
    %slice3A_139 = vector.extract_strided_slice %div3A_20 {offsets = [0, 0], sizes = [1, 1024], strides = [1, 1]} : vector<3x1024xf32> to vector<1x1024xf32>
    %mul3A_140 = arith.mulf %slice3A_138, %slice3A_139 : vector<1x1024xf32>
    %sub3A_141 = arith.subf %mul3A_137, %mul3A_140 : vector<1x1024xf32>
    %concatenate3A_142 = tpu.concatenate %sub3A_127, %sub3A_134, %sub3A_141 in 0 : vector<1x1024xf32>, vector<1x1024xf32>, vector<1x1024xf32> -> vector<3x1024xf32>
    %mul3A_143 = arith.mulf %concatenate3A_142, %concatenate3A_142 : vector<3x1024xf32>
    %reduce_sum3A_144 = arith.constant dense<0.000000e+00> : vector<1024xf32>
    %reduce_sum3A_145 = vector.multi_reduction <add>, %mul3A_143, %reduce_sum3A_144 [0] : vector<3x1024xf32> to vector<1024xf32>
    %broadcast_in_dim3A_146 = vector.shape_cast %reduce_sum3A_145 : vector<1024xf32> to vector<1x1024xf32>
    %sqrt3A_147 = math.sqrt %broadcast_in_dim3A_146 : vector<1x1024xf32>
    %max3A_148 = arith.constant 9.99999996E-13 : f32
    %max3A_149 = vector.broadcast %max3A_148 : f32 to vector<1x1024xf32>
    %max3A_150 = arith.maximumf %sqrt3A_147, %max3A_149 : vector<1x1024xf32>
    %div3A_151 = vector.broadcast %max3A_150 : vector<1x1024xf32> to vector<3x1024xf32>
    %div3A_152 = arith.divf %concatenate3A_142, %div3A_151 : vector<3x1024xf32>
    %slice3A_153 = vector.extract_strided_slice %div3A_20 {offsets = [1, 0], sizes = [1, 1024], strides = [1, 1]} : vector<3x1024xf32> to vector<1x1024xf32>
    %slice3A_154 = vector.extract_strided_slice %div3A_114 {offsets = [2, 0], sizes = [1, 1024], strides = [1, 1]} : vector<3x1024xf32> to vector<1x1024xf32>
    %mul3A_155 = arith.mulf %slice3A_153, %slice3A_154 : vector<1x1024xf32>
    %slice3A_156 = vector.extract_strided_slice %div3A_20 {offsets = [2, 0], sizes = [1, 1024], strides = [1, 1]} : vector<3x1024xf32> to vector<1x1024xf32>
    %slice3A_157 = vector.extract_strided_slice %div3A_114 {offsets = [1, 0], sizes = [1, 1024], strides = [1, 1]} : vector<3x1024xf32> to vector<1x1024xf32>
    %mul3A_158 = arith.mulf %slice3A_156, %slice3A_157 : vector<1x1024xf32>
    %sub3A_159 = arith.subf %mul3A_155, %mul3A_158 : vector<1x1024xf32>
    %slice3A_160 = vector.extract_strided_slice %div3A_20 {offsets = [2, 0], sizes = [1, 1024], strides = [1, 1]} : vector<3x1024xf32> to vector<1x1024xf32>
    %slice3A_161 = vector.extract_strided_slice %div3A_114 {offsets = [0, 0], sizes = [1, 1024], strides = [1, 1]} : vector<3x1024xf32> to vector<1x1024xf32>
    %mul3A_162 = arith.mulf %slice3A_160, %slice3A_161 : vector<1x1024xf32>
    %slice3A_163 = vector.extract_strided_slice %div3A_20 {offsets = [0, 0], sizes = [1, 1024], strides = [1, 1]} : vector<3x1024xf32> to vector<1x1024xf32>
    %slice3A_164 = vector.extract_strided_slice %div3A_114 {offsets = [2, 0], sizes = [1, 1024], strides = [1, 1]} : vector<3x1024xf32> to vector<1x1024xf32>
    %mul3A_165 = arith.mulf %slice3A_163, %slice3A_164 : vector<1x1024xf32>
    %sub3A_166 = arith.subf %mul3A_162, %mul3A_165 : vector<1x1024xf32>
    %slice3A_167 = vector.extract_strided_slice %div3A_20 {offsets = [0, 0], sizes = [1, 1024], strides = [1, 1]} : vector<3x1024xf32> to vector<1x1024xf32>
    %slice3A_168 = vector.extract_strided_slice %div3A_114 {offsets = [1, 0], sizes = [1, 1024], strides = [1, 1]} : vector<3x1024xf32> to vector<1x1024xf32>
    %mul3A_169 = arith.mulf %slice3A_167, %slice3A_168 : vector<1x1024xf32>
    %slice3A_170 = vector.extract_strided_slice %div3A_20 {offsets = [1, 0], sizes = [1, 1024], strides = [1, 1]} : vector<3x1024xf32> to vector<1x1024xf32>
    %slice3A_171 = vector.extract_strided_slice %div3A_114 {offsets = [0, 0], sizes = [1, 1024], strides = [1, 1]} : vector<3x1024xf32> to vector<1x1024xf32>
    %mul3A_172 = arith.mulf %slice3A_170, %slice3A_171 : vector<1x1024xf32>
    %sub3A_173 = arith.subf %mul3A_169, %mul3A_172 : vector<1x1024xf32>
    %concatenate3A_174 = tpu.concatenate %sub3A_159, %sub3A_166, %sub3A_173 in 0 : vector<1x1024xf32>, vector<1x1024xf32>, vector<1x1024xf32> -> vector<3x1024xf32>
    %mul3A_175 = arith.mulf %concatenate3A_174, %concatenate3A_174 : vector<3x1024xf32>
    %reduce_sum3A_176 = arith.constant dense<0.000000e+00> : vector<1024xf32>
    %reduce_sum3A_177 = vector.multi_reduction <add>, %mul3A_175, %reduce_sum3A_176 [0] : vector<3x1024xf32> to vector<1024xf32>
    %broadcast_in_dim3A_178 = vector.shape_cast %reduce_sum3A_177 : vector<1024xf32> to vector<1x1024xf32>
    %sqrt3A_179 = math.sqrt %broadcast_in_dim3A_178 : vector<1x1024xf32>
    %max3A_180 = arith.constant 9.99999996E-13 : f32
    %max3A_181 = vector.broadcast %max3A_180 : f32 to vector<1x1024xf32>
    %max3A_182 = arith.maximumf %sqrt3A_179, %max3A_181 : vector<1x1024xf32>
    %div3A_183 = vector.broadcast %max3A_182 : vector<1x1024xf32> to vector<3x1024xf32>
    %div3A_184 = arith.divf %concatenate3A_174, %div3A_183 : vector<3x1024xf32>
    %slice3A_185 = vector.extract_strided_slice %div3A_114 {offsets = [1, 0], sizes = [1, 1024], strides = [1, 1]} : vector<3x1024xf32> to vector<1x1024xf32>
    %slice3A_186 = vector.extract_strided_slice %concatenate3A_120 {offsets = [2, 0], sizes = [1, 1024], strides = [1, 1]} : vector<3x1024xf32> to vector<1x1024xf32>
    %mul3A_187 = arith.mulf %slice3A_185, %slice3A_186 : vector<1x1024xf32>
    %slice3A_188 = vector.extract_strided_slice %div3A_114 {offsets = [2, 0], sizes = [1, 1024], strides = [1, 1]} : vector<3x1024xf32> to vector<1x1024xf32>
    %slice3A_189 = vector.extract_strided_slice %concatenate3A_120 {offsets = [1, 0], sizes = [1, 1024], strides = [1, 1]} : vector<3x1024xf32> to vector<1x1024xf32>
    %mul3A_190 = arith.mulf %slice3A_188, %slice3A_189 : vector<1x1024xf32>
    %sub3A_191 = arith.subf %mul3A_187, %mul3A_190 : vector<1x1024xf32>
    %slice3A_192 = vector.extract_strided_slice %div3A_114 {offsets = [2, 0], sizes = [1, 1024], strides = [1, 1]} : vector<3x1024xf32> to vector<1x1024xf32>
    %slice3A_193 = vector.extract_strided_slice %concatenate3A_120 {offsets = [0, 0], sizes = [1, 1024], strides = [1, 1]} : vector<3x1024xf32> to vector<1x1024xf32>
    %mul3A_194 = arith.mulf %slice3A_192, %slice3A_193 : vector<1x1024xf32>
    %slice3A_195 = vector.extract_strided_slice %div3A_114 {offsets = [0, 0], sizes = [1, 1024], strides = [1, 1]} : vector<3x1024xf32> to vector<1x1024xf32>
    %slice3A_196 = vector.extract_strided_slice %concatenate3A_120 {offsets = [2, 0], sizes = [1, 1024], strides = [1, 1]} : vector<3x1024xf32> to vector<1x1024xf32>
    %mul3A_197 = arith.mulf %slice3A_195, %slice3A_196 : vector<1x1024xf32>
    %sub3A_198 = arith.subf %mul3A_194, %mul3A_197 : vector<1x1024xf32>
    %slice3A_199 = vector.extract_strided_slice %div3A_114 {offsets = [0, 0], sizes = [1, 1024], strides = [1, 1]} : vector<3x1024xf32> to vector<1x1024xf32>
    %slice3A_200 = vector.extract_strided_slice %concatenate3A_120 {offsets = [1, 0], sizes = [1, 1024], strides = [1, 1]} : vector<3x1024xf32> to vector<1x1024xf32>
    %mul3A_201 = arith.mulf %slice3A_199, %slice3A_200 : vector<1x1024xf32>
    %slice3A_202 = vector.extract_strided_slice %div3A_114 {offsets = [1, 0], sizes = [1, 1024], strides = [1, 1]} : vector<3x1024xf32> to vector<1x1024xf32>
    %slice3A_203 = vector.extract_strided_slice %concatenate3A_120 {offsets = [0, 0], sizes = [1, 1024], strides = [1, 1]} : vector<3x1024xf32> to vector<1x1024xf32>
    %mul3A_204 = arith.mulf %slice3A_202, %slice3A_203 : vector<1x1024xf32>
    %sub3A_205 = arith.subf %mul3A_201, %mul3A_204 : vector<1x1024xf32>
    %concatenate3A_206 = tpu.concatenate %sub3A_191, %sub3A_198, %sub3A_205 in 0 : vector<1x1024xf32>, vector<1x1024xf32>, vector<1x1024xf32> -> vector<3x1024xf32>
    %mul3A_207 = arith.mulf %concatenate3A_206, %concatenate3A_206 : vector<3x1024xf32>
    %reduce_sum3A_208 = arith.constant dense<0.000000e+00> : vector<1024xf32>
    %reduce_sum3A_209 = vector.multi_reduction <add>, %mul3A_207, %reduce_sum3A_208 [0] : vector<3x1024xf32> to vector<1024xf32>
    %broadcast_in_dim3A_210 = vector.shape_cast %reduce_sum3A_209 : vector<1024xf32> to vector<1x1024xf32>
    %sqrt3A_211 = math.sqrt %broadcast_in_dim3A_210 : vector<1x1024xf32>
    %max3A_212 = arith.constant 9.99999996E-13 : f32
    %max3A_213 = vector.broadcast %max3A_212 : f32 to vector<1x1024xf32>
    %max3A_214 = arith.maximumf %sqrt3A_211, %max3A_213 : vector<1x1024xf32>
    %div3A_215 = vector.broadcast %max3A_214 : vector<1x1024xf32> to vector<3x1024xf32>
    %div3A_216 = arith.divf %concatenate3A_206, %div3A_215 : vector<3x1024xf32>
    %slice3A_217 = vector.extract_strided_slice %concatenate3A_117 {offsets = [1, 0], sizes = [1, 1024], strides = [1, 1]} : vector<3x1024xf32> to vector<1x1024xf32>
    %slice3A_218 = vector.extract_strided_slice %div3A_9 {offsets = [2, 0], sizes = [1, 1024], strides = [1, 1]} : vector<3x1024xf32> to vector<1x1024xf32>
    %mul3A_219 = arith.mulf %slice3A_217, %slice3A_218 : vector<1x1024xf32>
    %slice3A_220 = vector.extract_strided_slice %concatenate3A_117 {offsets = [2, 0], sizes = [1, 1024], strides = [1, 1]} : vector<3x1024xf32> to vector<1x1024xf32>
    %slice3A_221 = vector.extract_strided_slice %div3A_9 {offsets = [1, 0], sizes = [1, 1024], strides = [1, 1]} : vector<3x1024xf32> to vector<1x1024xf32>
    %mul3A_222 = arith.mulf %slice3A_220, %slice3A_221 : vector<1x1024xf32>
    %sub3A_223 = arith.subf %mul3A_219, %mul3A_222 : vector<1x1024xf32>
    %slice3A_224 = vector.extract_strided_slice %concatenate3A_117 {offsets = [2, 0], sizes = [1, 1024], strides = [1, 1]} : vector<3x1024xf32> to vector<1x1024xf32>
    %slice3A_225 = vector.extract_strided_slice %div3A_9 {offsets = [0, 0], sizes = [1, 1024], strides = [1, 1]} : vector<3x1024xf32> to vector<1x1024xf32>
    %mul3A_226 = arith.mulf %slice3A_224, %slice3A_225 : vector<1x1024xf32>
    %slice3A_227 = vector.extract_strided_slice %concatenate3A_117 {offsets = [0, 0], sizes = [1, 1024], strides = [1, 1]} : vector<3x1024xf32> to vector<1x1024xf32>
    %slice3A_228 = vector.extract_strided_slice %div3A_9 {offsets = [2, 0], sizes = [1, 1024], strides = [1, 1]} : vector<3x1024xf32> to vector<1x1024xf32>
    %mul3A_229 = arith.mulf %slice3A_227, %slice3A_228 : vector<1x1024xf32>
    %sub3A_230 = arith.subf %mul3A_226, %mul3A_229 : vector<1x1024xf32>
    %slice3A_231 = vector.extract_strided_slice %concatenate3A_117 {offsets = [0, 0], sizes = [1, 1024], strides = [1, 1]} : vector<3x1024xf32> to vector<1x1024xf32>
    %slice3A_232 = vector.extract_strided_slice %div3A_9 {offsets = [1, 0], sizes = [1, 1024], strides = [1, 1]} : vector<3x1024xf32> to vector<1x1024xf32>
    %mul3A_233 = arith.mulf %slice3A_231, %slice3A_232 : vector<1x1024xf32>
    %slice3A_234 = vector.extract_strided_slice %concatenate3A_117 {offsets = [1, 0], sizes = [1, 1024], strides = [1, 1]} : vector<3x1024xf32> to vector<1x1024xf32>
    %slice3A_235 = vector.extract_strided_slice %div3A_9 {offsets = [0, 0], sizes = [1, 1024], strides = [1, 1]} : vector<3x1024xf32> to vector<1x1024xf32>
    %mul3A_236 = arith.mulf %slice3A_234, %slice3A_235 : vector<1x1024xf32>
    %sub3A_237 = arith.subf %mul3A_233, %mul3A_236 : vector<1x1024xf32>
    %concatenate3A_238 = tpu.concatenate %sub3A_223, %sub3A_230, %sub3A_237 in 0 : vector<1x1024xf32>, vector<1x1024xf32>, vector<1x1024xf32> -> vector<3x1024xf32>
    %mul3A_239 = arith.mulf %concatenate3A_238, %concatenate3A_238 : vector<3x1024xf32>
    %reduce_sum3A_240 = arith.constant dense<0.000000e+00> : vector<1024xf32>
    %reduce_sum3A_241 = vector.multi_reduction <add>, %mul3A_239, %reduce_sum3A_240 [0] : vector<3x1024xf32> to vector<1024xf32>
    %broadcast_in_dim3A_242 = vector.shape_cast %reduce_sum3A_241 : vector<1024xf32> to vector<1x1024xf32>
    %sqrt3A_243 = math.sqrt %broadcast_in_dim3A_242 : vector<1x1024xf32>
    %max3A_244 = arith.constant 9.99999996E-13 : f32
    %max3A_245 = vector.broadcast %max3A_244 : f32 to vector<1x1024xf32>
    %max3A_246 = arith.maximumf %sqrt3A_243, %max3A_245 : vector<1x1024xf32>
    %div3A_247 = vector.broadcast %max3A_246 : vector<1x1024xf32> to vector<3x1024xf32>
    %div3A_248 = arith.divf %concatenate3A_238, %div3A_247 : vector<3x1024xf32>
    %iota3A = tpu.iota {dimensions = array<i32: 1>} : vector<1x1024xi32>
    %convert_element_type3A = arith.sitofp %iota3A : vector<1x1024xi32> to vector<1x1024xf32>
    %lt3A = arith.constant 5.000000e-01 : f32
    %lt3A_249 = vector.broadcast %lt3A : f32 to vector<1x1024xf32>
    %lt3A_250 = arith.cmpf olt, %convert_element_type3A, %lt3A_249 : vector<1x1024xf32>
    %gt3A = arith.constant 1.022500e+03 : f32
    %gt3A_251 = vector.broadcast %gt3A : f32 to vector<1x1024xf32>
    %gt3A_252 = arith.cmpf ogt, %convert_element_type3A, %gt3A_251 : vector<1x1024xf32>
    %mul3A_253 = arith.mulf %div3A_248, %div3A_152 : vector<3x1024xf32>
    %reduce_sum3A_254 = arith.constant dense<0.000000e+00> : vector<1024xf32>
    %reduce_sum3A_255 = vector.multi_reduction <add>, %mul3A_253, %reduce_sum3A_254 [0] : vector<3x1024xf32> to vector<1024xf32>
    %broadcast_in_dim3A_256 = vector.shape_cast %reduce_sum3A_255 : vector<1024xf32> to vector<1x1024xf32>
    %jit3A = arith.constant -0.99999988 : f32
    %jit3A_257 = arith.constant 0.99999988 : f32
    %max3A_258 = vector.broadcast %jit3A : f32 to vector<1x1024xf32>
    %max3A_259 = arith.maximumf %max3A_258, %broadcast_in_dim3A_256 : vector<1x1024xf32>
    %min3A = vector.broadcast %jit3A_257 : f32 to vector<1x1024xf32>
    %min3A_260 = arith.minimumf %min3A, %max3A_259 : vector<1x1024xf32>
    %mul3A_261 = arith.mulf %concatenate3A_117, %div3A_152 : vector<3x1024xf32>
    %reduce_sum3A_262 = arith.constant dense<0.000000e+00> : vector<1024xf32>
    %reduce_sum3A_263 = vector.multi_reduction <add>, %mul3A_261, %reduce_sum3A_262 [0] : vector<3x1024xf32> to vector<1024xf32>
    %broadcast_in_dim3A_264 = vector.shape_cast %reduce_sum3A_263 : vector<1024xf32> to vector<1x1024xf32>
    %sign3A = tpu.bitcast %broadcast_in_dim3A_264 : vector<1x1024xf32> -> vector<1x1024xi32>
    %sign3A_265 = arith.constant -2147483648 : i32
    %sign3A_266 = vector.broadcast %sign3A_265 : i32 to vector<1x1024xi32>
    %sign3A_267 = arith.andi %sign3A, %sign3A_266 : vector<1x1024xi32>
    %sign3A_268 = arith.constant 1065353216 : i32
    %sign3A_269 = vector.broadcast %sign3A_268 : i32 to vector<1x1024xi32>
    %sign3A_270 = arith.ori %sign3A_269, %sign3A_267 : vector<1x1024xi32>
    %sign3A_271 = tpu.bitcast %sign3A_270 : vector<1x1024xi32> -> vector<1x1024xf32>
    %sign3A_272 = math.absf %broadcast_in_dim3A_264 : vector<1x1024xf32>
    %sign3A_273 = arith.constant 0.000000e+00 : f32
    %sign3A_274 = vector.broadcast %sign3A_273 : f32 to vector<1x1024xf32>
    %sign3A_275 = arith.cmpf ogt, %sign3A_272, %sign3A_274 : vector<1x1024xf32>
    %sign3A_276 = arith.select %sign3A_275, %sign3A_271, %broadcast_in_dim3A_264 : vector<1x1024xi1>, vector<1x1024xf32>
    %eq3A = arith.constant 0.000000e+00 : f32
    %eq3A_277 = vector.broadcast %eq3A : f32 to vector<1x1024xf32>
    %eq3A_278 = arith.cmpf oeq, %sign3A_276, %eq3A_277 : vector<1x1024xf32>
    %jit3A_279 = arith.constant 1.000000e+00 : f32
    %broadcast_in_dim3A_280 = vector.broadcast %jit3A_279 : f32 to vector<1x1024xf32>
    %select_n3A = arith.select %eq3A_278, %broadcast_in_dim3A_280, %min3A_260 : vector<1x1024xi1>, vector<1x1024xf32>
    %jit3A_281 = arith.constant 1.000000e+00 : f32
    %broadcast_in_dim3A_282 = vector.broadcast %jit3A_281 : f32 to vector<1x1024xf32>
    %select_n3A_283 = arith.select %lt3A_250, %broadcast_in_dim3A_282, %select_n3A : vector<1x1024xi1>, vector<1x1024xf32>
    %mul3A_284 = arith.mulf %min3A_260, %min3A_260 : vector<1x1024xf32>
    %sub3A_285 = arith.constant 1.000000e+00 : f32
    %sub3A_286 = vector.broadcast %sub3A_285 : f32 to vector<1x1024xf32>
    %sub3A_287 = arith.subf %sub3A_286, %mul3A_284 : vector<1x1024xf32>
    %max3A_288 = arith.constant 0.000000e+00 : f32
    %max3A_289 = vector.broadcast %max3A_288 : f32 to vector<1x1024xf32>
    %max3A_290 = arith.maximumf %sub3A_287, %max3A_289 : vector<1x1024xf32>
    %sqrt3A_291 = math.sqrt %max3A_290 : vector<1x1024xf32>
    %mul3A_292 = arith.mulf %sign3A_276, %sqrt3A_291 : vector<1x1024xf32>
    %jit3A_293 = arith.constant 0.000000e+00 : f32
    %broadcast_in_dim3A_294 = vector.broadcast %jit3A_293 : f32 to vector<1x1024xf32>
    %select_n3A_295 = arith.select %lt3A_250, %broadcast_in_dim3A_294, %mul3A_292 : vector<1x1024xi1>, vector<1x1024xf32>
    %mul3A_296 = arith.mulf %div3A_152, %div3A_184 : vector<3x1024xf32>
    %reduce_sum3A_297 = arith.constant dense<0.000000e+00> : vector<1024xf32>
    %reduce_sum3A_298 = vector.multi_reduction <add>, %mul3A_296, %reduce_sum3A_297 [0] : vector<3x1024xf32> to vector<1024xf32>
    %broadcast_in_dim3A_299 = vector.shape_cast %reduce_sum3A_298 : vector<1024xf32> to vector<1x1024xf32>
    %jit3A_300 = arith.constant -0.99999988 : f32
    %jit3A_301 = arith.constant 0.99999988 : f32
    %max3A_302 = vector.broadcast %jit3A_300 : f32 to vector<1x1024xf32>
    %max3A_303 = arith.maximumf %max3A_302, %broadcast_in_dim3A_299 : vector<1x1024xf32>
    %min3A_304 = vector.broadcast %jit3A_301 : f32 to vector<1x1024xf32>
    %min3A_305 = arith.minimumf %min3A_304, %max3A_303 : vector<1x1024xf32>
    %mul3A_306 = arith.mulf %div3A_9, %div3A_184 : vector<3x1024xf32>
    %reduce_sum3A_307 = arith.constant dense<0.000000e+00> : vector<1024xf32>
    %reduce_sum3A_308 = vector.multi_reduction <add>, %mul3A_306, %reduce_sum3A_307 [0] : vector<3x1024xf32> to vector<1024xf32>
    %broadcast_in_dim3A_309 = vector.shape_cast %reduce_sum3A_308 : vector<1024xf32> to vector<1x1024xf32>
    %sign3A_310 = tpu.bitcast %broadcast_in_dim3A_309 : vector<1x1024xf32> -> vector<1x1024xi32>
    %sign3A_311 = arith.constant -2147483648 : i32
    %sign3A_312 = vector.broadcast %sign3A_311 : i32 to vector<1x1024xi32>
    %sign3A_313 = arith.andi %sign3A_310, %sign3A_312 : vector<1x1024xi32>
    %sign3A_314 = arith.constant 1065353216 : i32
    %sign3A_315 = vector.broadcast %sign3A_314 : i32 to vector<1x1024xi32>
    %sign3A_316 = arith.ori %sign3A_315, %sign3A_313 : vector<1x1024xi32>
    %sign3A_317 = tpu.bitcast %sign3A_316 : vector<1x1024xi32> -> vector<1x1024xf32>
    %sign3A_318 = math.absf %broadcast_in_dim3A_309 : vector<1x1024xf32>
    %sign3A_319 = arith.constant 0.000000e+00 : f32
    %sign3A_320 = vector.broadcast %sign3A_319 : f32 to vector<1x1024xf32>
    %sign3A_321 = arith.cmpf ogt, %sign3A_318, %sign3A_320 : vector<1x1024xf32>
    %sign3A_322 = arith.select %sign3A_321, %sign3A_317, %broadcast_in_dim3A_309 : vector<1x1024xi1>, vector<1x1024xf32>
    %eq3A_323 = arith.constant 0.000000e+00 : f32
    %eq3A_324 = vector.broadcast %eq3A_323 : f32 to vector<1x1024xf32>
    %eq3A_325 = arith.cmpf oeq, %sign3A_322, %eq3A_324 : vector<1x1024xf32>
    %jit3A_326 = arith.constant 1.000000e+00 : f32
    %broadcast_in_dim3A_327 = vector.broadcast %jit3A_326 : f32 to vector<1x1024xf32>
    %select_n3A_328 = arith.select %eq3A_325, %broadcast_in_dim3A_327, %min3A_305 : vector<1x1024xi1>, vector<1x1024xf32>
    %jit3A_329 = arith.constant 1.000000e+00 : f32
    %broadcast_in_dim3A_330 = vector.broadcast %jit3A_329 : f32 to vector<1x1024xf32>
    %select_n3A_331 = arith.select %gt3A_252, %broadcast_in_dim3A_330, %select_n3A_328 : vector<1x1024xi1>, vector<1x1024xf32>
    %mul3A_332 = arith.mulf %min3A_305, %min3A_305 : vector<1x1024xf32>
    %sub3A_333 = arith.constant 1.000000e+00 : f32
    %sub3A_334 = vector.broadcast %sub3A_333 : f32 to vector<1x1024xf32>
    %sub3A_335 = arith.subf %sub3A_334, %mul3A_332 : vector<1x1024xf32>
    %max3A_336 = arith.constant 0.000000e+00 : f32
    %max3A_337 = vector.broadcast %max3A_336 : f32 to vector<1x1024xf32>
    %max3A_338 = arith.maximumf %sub3A_335, %max3A_337 : vector<1x1024xf32>
    %sqrt3A_339 = math.sqrt %max3A_338 : vector<1x1024xf32>
    %mul3A_340 = arith.mulf %sign3A_322, %sqrt3A_339 : vector<1x1024xf32>
    %jit3A_341 = arith.constant 0.000000e+00 : f32
    %broadcast_in_dim3A_342 = vector.broadcast %jit3A_341 : f32 to vector<1x1024xf32>
    %select_n3A_343 = arith.select %gt3A_252, %broadcast_in_dim3A_342, %mul3A_340 : vector<1x1024xi1>, vector<1x1024xf32>
    %mul3A_344 = arith.mulf %div3A_184, %div3A_216 : vector<3x1024xf32>
    %reduce_sum3A_345 = arith.constant dense<0.000000e+00> : vector<1024xf32>
    %reduce_sum3A_346 = vector.multi_reduction <add>, %mul3A_344, %reduce_sum3A_345 [0] : vector<3x1024xf32> to vector<1024xf32>
    %broadcast_in_dim3A_347 = vector.shape_cast %reduce_sum3A_346 : vector<1024xf32> to vector<1x1024xf32>
    %jit3A_348 = arith.constant -0.99999988 : f32
    %jit3A_349 = arith.constant 0.99999988 : f32
    %max3A_350 = vector.broadcast %jit3A_348 : f32 to vector<1x1024xf32>
    %max3A_351 = arith.maximumf %max3A_350, %broadcast_in_dim3A_347 : vector<1x1024xf32>
    %min3A_352 = vector.broadcast %jit3A_349 : f32 to vector<1x1024xf32>
    %min3A_353 = arith.minimumf %min3A_352, %max3A_351 : vector<1x1024xf32>
    %mul3A_354 = arith.mulf %div3A_20, %div3A_216 : vector<3x1024xf32>
    %reduce_sum3A_355 = arith.constant dense<0.000000e+00> : vector<1024xf32>
    %reduce_sum3A_356 = vector.multi_reduction <add>, %mul3A_354, %reduce_sum3A_355 [0] : vector<3x1024xf32> to vector<1024xf32>
    %broadcast_in_dim3A_357 = vector.shape_cast %reduce_sum3A_356 : vector<1024xf32> to vector<1x1024xf32>
    %sign3A_358 = tpu.bitcast %broadcast_in_dim3A_357 : vector<1x1024xf32> -> vector<1x1024xi32>
    %sign3A_359 = arith.constant -2147483648 : i32
    %sign3A_360 = vector.broadcast %sign3A_359 : i32 to vector<1x1024xi32>
    %sign3A_361 = arith.andi %sign3A_358, %sign3A_360 : vector<1x1024xi32>
    %sign3A_362 = arith.constant 1065353216 : i32
    %sign3A_363 = vector.broadcast %sign3A_362 : i32 to vector<1x1024xi32>
    %sign3A_364 = arith.ori %sign3A_363, %sign3A_361 : vector<1x1024xi32>
    %sign3A_365 = tpu.bitcast %sign3A_364 : vector<1x1024xi32> -> vector<1x1024xf32>
    %sign3A_366 = math.absf %broadcast_in_dim3A_357 : vector<1x1024xf32>
    %sign3A_367 = arith.constant 0.000000e+00 : f32
    %sign3A_368 = vector.broadcast %sign3A_367 : f32 to vector<1x1024xf32>
    %sign3A_369 = arith.cmpf ogt, %sign3A_366, %sign3A_368 : vector<1x1024xf32>
    %sign3A_370 = arith.select %sign3A_369, %sign3A_365, %broadcast_in_dim3A_357 : vector<1x1024xi1>, vector<1x1024xf32>
    %eq3A_371 = arith.constant 0.000000e+00 : f32
    %eq3A_372 = vector.broadcast %eq3A_371 : f32 to vector<1x1024xf32>
    %eq3A_373 = arith.cmpf oeq, %sign3A_370, %eq3A_372 : vector<1x1024xf32>
    %jit3A_374 = arith.constant 1.000000e+00 : f32
    %broadcast_in_dim3A_375 = vector.broadcast %jit3A_374 : f32 to vector<1x1024xf32>
    %select_n3A_376 = arith.select %eq3A_373, %broadcast_in_dim3A_375, %min3A_353 : vector<1x1024xi1>, vector<1x1024xf32>
    %jit3A_377 = arith.constant 1.000000e+00 : f32
    %broadcast_in_dim3A_378 = vector.broadcast %jit3A_377 : f32 to vector<1x1024xf32>
    %select_n3A_379 = arith.select %gt3A_252, %broadcast_in_dim3A_378, %select_n3A_376 : vector<1x1024xi1>, vector<1x1024xf32>
    %mul3A_380 = arith.mulf %min3A_353, %min3A_353 : vector<1x1024xf32>
    %sub3A_381 = arith.constant 1.000000e+00 : f32
    %sub3A_382 = vector.broadcast %sub3A_381 : f32 to vector<1x1024xf32>
    %sub3A_383 = arith.subf %sub3A_382, %mul3A_380 : vector<1x1024xf32>
    %max3A_384 = arith.constant 0.000000e+00 : f32
    %max3A_385 = vector.broadcast %max3A_384 : f32 to vector<1x1024xf32>
    %max3A_386 = arith.maximumf %sub3A_383, %max3A_385 : vector<1x1024xf32>
    %sqrt3A_387 = math.sqrt %max3A_386 : vector<1x1024xf32>
    %mul3A_388 = arith.mulf %sign3A_370, %sqrt3A_387 : vector<1x1024xf32>
    %jit3A_389 = arith.constant 0.000000e+00 : f32
    %broadcast_in_dim3A_390 = vector.broadcast %jit3A_389 : f32 to vector<1x1024xf32>
    %select_n3A_391 = arith.select %gt3A_252, %broadcast_in_dim3A_390, %mul3A_388 : vector<1x1024xi1>, vector<1x1024xf32>
    %concatenate3A_392 = tpu.concatenate %select_n3A_283, %select_n3A_331, %select_n3A_379, %select_n3A_295, %select_n3A_343, %select_n3A_391 in 0 : vector<1x1024xf32>, vector<1x1024xf32>, vector<1x1024xf32>, vector<1x1024xf32>, vector<1x1024xf32>, vector<1x1024xf32> -> vector<6x1024xf32>
    %get3A_393 = arith.constant 0 : index
    %get3A_394 = arith.constant 0 : index
    %get3A_395 = vector.load %arg2[%get3A_393, %get3A_394] : memref<256x6xf32, #tpu.memory_space<vmem>>, vector<256x6xf32>
    %dot_general3A = arith.constant dense<0.000000e+00> : vector<256x1024xf32>
    %dot_general3A_396 = tpu.matmul %get3A_395, %concatenate3A_392, %dot_general3A {dimension_numbers = #tpu.dot_dimension_numbers<[1], [0], [0], [1], [0, 0, 1, 1], [], []>, precision = #tpu.contract_precision<fp32>, transpose_lhs_hint = false} : vector<256x6xf32>, vector<6x1024xf32>, vector<256x1024xf32> -> vector<256x1024xf32>
    %get3A_397 = arith.constant 0 : index
    %get3A_398 = arith.constant 0 : index
    %get3A_399 = vector.load %arg3[%get3A_397, %get3A_398] : memref<256x1xf32, #tpu.memory_space<vmem>>, vector<256x1xf32>
    %add3A = vector.broadcast %get3A_399 : vector<256x1xf32> to vector<256x1024xf32>
    %add3A_400 = arith.addf %dot_general3A_396, %add3A : vector<256x1024xf32>
    %reduce_sum3A_401 = arith.constant dense<0.000000e+00> : vector<1024xf32>
    %reduce_sum3A_402 = vector.multi_reduction <add>, %add3A_400, %reduce_sum3A_401 [0] : vector<256x1024xf32> to vector<1024xf32>
    %broadcast_in_dim3A_403 = vector.shape_cast %reduce_sum3A_402 : vector<1024xf32> to vector<1x1024xf32>
    %div3A_404 = arith.constant 2.560000e+02 : f32
    %div3A_405 = vector.broadcast %div3A_404 : f32 to vector<1x1024xf32>
    %div3A_406 = arith.divf %broadcast_in_dim3A_403, %div3A_405 : vector<1x1024xf32>
    %sub3A_407 = vector.broadcast %div3A_406 : vector<1x1024xf32> to vector<256x1024xf32>
    %sub3A_408 = arith.subf %add3A_400, %sub3A_407 : vector<256x1024xf32>
    %integer_pow3A = arith.mulf %sub3A_408, %sub3A_408 : vector<256x1024xf32>
    %reduce_sum3A_409 = arith.constant dense<0.000000e+00> : vector<1024xf32>
    %reduce_sum3A_410 = vector.multi_reduction <add>, %integer_pow3A, %reduce_sum3A_409 [0] : vector<256x1024xf32> to vector<1024xf32>
    %broadcast_in_dim3A_411 = vector.shape_cast %reduce_sum3A_410 : vector<1024xf32> to vector<1x1024xf32>
    %div3A_412 = arith.constant 2.560000e+02 : f32
    %div3A_413 = vector.broadcast %div3A_412 : f32 to vector<1x1024xf32>
    %div3A_414 = arith.divf %broadcast_in_dim3A_411, %div3A_413 : vector<1x1024xf32>
    %sub3A_415 = vector.broadcast %div3A_406 : vector<1x1024xf32> to vector<256x1024xf32>
    %sub3A_416 = arith.subf %add3A_400, %sub3A_415 : vector<256x1024xf32>
    %add3A_417 = arith.constant 9.99999974E-6 : f32
    %add3A_418 = vector.broadcast %add3A_417 : f32 to vector<1x1024xf32>
    %add3A_419 = arith.addf %div3A_414, %add3A_418 : vector<1x1024xf32>
    %sqrt3A_420 = math.sqrt %add3A_419 : vector<1x1024xf32>
    %div3A_421 = vector.broadcast %sqrt3A_420 : vector<1x1024xf32> to vector<256x1024xf32>
    %div3A_422 = arith.divf %sub3A_416, %div3A_421 : vector<256x1024xf32>
    %get3A_423 = arith.constant 0 : index
    %get3A_424 = arith.constant 0 : index
    %get3A_425 = vector.load %arg4[%get3A_423, %get3A_424] : memref<256x1xf32, #tpu.memory_space<vmem>>, vector<256x1xf32>
    %mul3A_426 = vector.broadcast %get3A_425 : vector<256x1xf32> to vector<256x1024xf32>
    %mul3A_427 = arith.mulf %div3A_422, %mul3A_426 : vector<256x1024xf32>
    %get3A_428 = arith.constant 0 : index
    %get3A_429 = arith.constant 0 : index
    %get3A_430 = vector.load %arg5[%get3A_428, %get3A_429] : memref<256x1xf32, #tpu.memory_space<vmem>>, vector<256x1xf32>
    %add3A_431 = vector.broadcast %get3A_430 : vector<256x1xf32> to vector<256x1024xf32>
    %add3A_432 = arith.addf %mul3A_427, %add3A_431 : vector<256x1024xf32>
    %swap3A_433 = arith.constant 0 : index
    %swap3A_434 = arith.constant 0 : index
    %swap3A_435 = arith.constant 0 : index
    %swap3A_436 = vector.load %arg6[%swap3A_433, %swap3A_434, %swap3A_435] : memref<1x256x1024xf32, #tpu.memory_space<vmem>>, vector<1x256x1024xf32>
    %swap3A_437 = vector.shape_cast %swap3A_436 : vector<1x256x1024xf32> to vector<256x1024xf32>
    %swap3A_438 = vector.shape_cast %add3A_432 : vector<256x1024xf32> to vector<1x256x1024xf32>
    tpu.vector_store %arg6[%swap3A_433, %swap3A_434, %swap3A_435], %swap3A_438 {strides = array<i32>} : memref<1x256x1024xf32, #tpu.memory_space<vmem>>, vector<1x256x1024xf32>,
    return
  }
  func.func @transform_0(%arg0: i32) -> (i32, i32, i32) {
    %c0_i32 = arith.constant 0 : i32
    %c0_i32_0 = arith.constant 0 : i32
    %c0_i32_1 = arith.constant 0 : i32
    return %arg0, %c0_i32, %c0_i32_0 : i32, i32, i32
  }
  func.func @transform_1(%arg0: i32) -> (i32, i32) {
    %c0_i32 = arith.constant 0 : i32
    %c0_i32_0 = arith.constant 0 : i32
    %c0_i32_1 = arith.constant 0 : i32
    return %c0_i32, %c0_i32_0 : i32, i32
  }
  func.func @transform_2(%arg0: i32) -> (i32, i32) {
    %c0_i32 = arith.constant 0 : i32
    %c0_i32_0 = arith.constant 0 : i32
    %c0_i32_1 = arith.constant 0 : i32
    return %c0_i32, %c0_i32_0 : i32, i32
  }
  func.func @transform_3(%arg0: i32) -> (i32, i32) {
    %c0_i32 = arith.constant 0 : i32
    %c0_i32_0 = arith.constant 0 : i32
    %c0_i32_1 = arith.constant 0 : i32
    return %c0_i32, %c0_i32_0 : i32, i32
  }
  func.func @transform_4(%arg0: i32) -> (i32, i32) {
    %c0_i32 = arith.constant 0 : i32
    %c0_i32_0 = arith.constant 0 : i32
    %c0_i32_1 = arith.constant 0 : i32
    return %c0_i32, %c0_i32_0 : i32, i32
  }
  func.func @transform_5(%arg0: i32) -> (i32, i32, i32) {
    %c0_i32 = arith.constant 0 : i32
    %c0_i32_0 = arith.constant 0 : i32
    %c0_i32_1 = arith.constant 0 : i32
    return %arg0, %c0_i32, %c0_i32_0 : i32, i32, i32
  }
  func.func @transform_6(%arg0: i32) -> (i32, i32, i32) {
    %c0_i32 = arith.constant 0 : i32
    %c0_i32_0 = arith.constant 0 : i32
    %c0_i32_1 = arith.constant 0 : i32
    return %arg0, %c0_i32, %c0_i32_0 : i32, i32, i32
  }
}

module attributes {stable_mosaic.version = 14 : i64} {
  func.func @_topk_kernel(%arg0: i32, %arg1: i32, %arg2: memref<1x128x3xf32, #tpu.memory_space<vmem>>, %arg3: memref<1x3x1024xf32, #tpu.memory_space<vmem>>, %arg4: memref<1x128x30xf32, #tpu.memory_space<vmem>>, %arg5: memref<1x128x30xi32, #tpu.memory_space<vmem>>) attributes {dimension_semantics = [#tpu.dimension_semantics<arbitrary>, #tpu.dimension_semantics<arbitrary>], iteration_bounds = array<i64: 8, 8>, scalar_prefetch = 0 : i64, scratch_operands = 0 : i64, tpu.core_type = #tpu.core_type<tc>, window_params = [{transform_indices = @transform_0, window_bounds = array<i64: 1, 128, 3>}, {transform_indices = @transform_1, window_bounds = array<i64: 1, 3, 1024>}, {transform_indices = @transform_2, window_bounds = array<i64: 1, 128, 30>}, {transform_indices = @transform_3, window_bounds = array<i64: 1, 128, 30>}]} {
    %get3A = arith.constant 0 : index
    %get3A_0 = arith.constant 0 : index
    %get3A_1 = arith.constant 0 : index
    %get3A_2 = vector.load %arg2[%get3A, %get3A_0, %get3A_1] : memref<1x128x3xf32, #tpu.memory_space<vmem>>, vector<1x128x3xf32>
    %get3A_3 = vector.shape_cast %get3A_2 : vector<1x128x3xf32> to vector<128x3xf32>
    %get3A_4 = arith.constant 0 : index
    %get3A_5 = arith.constant 0 : index
    %get3A_6 = arith.constant 0 : index
    %get3A_7 = vector.load %arg3[%get3A_4, %get3A_5, %get3A_6] : memref<1x3x1024xf32, #tpu.memory_space<vmem>>, vector<1x3x1024xf32>
    %get3A_8 = vector.shape_cast %get3A_7 : vector<1x3x1024xf32> to vector<3x1024xf32>
    %slice3A = vector.extract_strided_slice %get3A_3 {offsets = [0, 0], sizes = [128, 1], strides = [1, 1]} : vector<128x3xf32> to vector<128x1xf32>
    %slice3A_9 = vector.extract_strided_slice %get3A_8 {offsets = [0, 0], sizes = [1, 1024], strides = [1, 1]} : vector<3x1024xf32> to vector<1x1024xf32>
    %sub3A = vector.broadcast %slice3A : vector<128x1xf32> to vector<128x1024xf32>
    %sub3A_10 = vector.broadcast %slice3A_9 : vector<1x1024xf32> to vector<128x1024xf32>
    %sub3A_11 = arith.subf %sub3A, %sub3A_10 : vector<128x1024xf32>
    %slice3A_12 = vector.extract_strided_slice %get3A_3 {offsets = [0, 1], sizes = [128, 1], strides = [1, 1]} : vector<128x3xf32> to vector<128x1xf32>
    %slice3A_13 = vector.extract_strided_slice %get3A_8 {offsets = [1, 0], sizes = [1, 1024], strides = [1, 1]} : vector<3x1024xf32> to vector<1x1024xf32>
    %sub3A_14 = vector.broadcast %slice3A_12 : vector<128x1xf32> to vector<128x1024xf32>
    %sub3A_15 = vector.broadcast %slice3A_13 : vector<1x1024xf32> to vector<128x1024xf32>
    %sub3A_16 = arith.subf %sub3A_14, %sub3A_15 : vector<128x1024xf32>
    %slice3A_17 = vector.extract_strided_slice %get3A_3 {offsets = [0, 2], sizes = [128, 1], strides = [1, 1]} : vector<128x3xf32> to vector<128x1xf32>
    %slice3A_18 = vector.extract_strided_slice %get3A_8 {offsets = [2, 0], sizes = [1, 1024], strides = [1, 1]} : vector<3x1024xf32> to vector<1x1024xf32>
    %sub3A_19 = vector.broadcast %slice3A_17 : vector<128x1xf32> to vector<128x1024xf32>
    %sub3A_20 = vector.broadcast %slice3A_18 : vector<1x1024xf32> to vector<128x1024xf32>
    %sub3A_21 = arith.subf %sub3A_19, %sub3A_20 : vector<128x1024xf32>
    %mul3A = arith.mulf %sub3A_11, %sub3A_11 : vector<128x1024xf32>
    %mul3A_22 = arith.mulf %sub3A_16, %sub3A_16 : vector<128x1024xf32>
    %add3A = arith.addf %mul3A, %mul3A_22 : vector<128x1024xf32>
    %mul3A_23 = arith.mulf %sub3A_21, %sub3A_21 : vector<128x1024xf32>
    %add3A_24 = arith.addf %add3A, %mul3A_23 : vector<128x1024xf32>
    %add3A_25 = arith.constant 9.99999997E-7 : f32
    %add3A_26 = vector.broadcast %add3A_25 : f32 to vector<128x1024xf32>
    %add3A_27 = arith.addf %add3A_24, %add3A_26 : vector<128x1024xf32>
    %sqrt3A = math.sqrt %add3A_27 : vector<128x1024xf32>
    %iota3A = tpu.iota {dimensions = array<i32: 1>} : vector<128x1024xi32>
    %convert_element_type3A = arith.sitofp %iota3A : vector<128x1024xi32> to vector<128x1024xf32>
    %reduce_min3A = arith.constant dense<0x7F800000> : vector<128xf32>
    %reduce_min3A_28 = vector.multi_reduction <minimumf>, %sqrt3A, %reduce_min3A [1] : vector<128x1024xf32> to vector<128xf32>
    %broadcast_in_dim3A = vector.shape_cast %reduce_min3A_28 : vector<128xf32> to vector<128x1xf32>
    %le3A = vector.broadcast %broadcast_in_dim3A : vector<128x1xf32> to vector<128x1024xf32>
    %le3A_29 = arith.cmpf ole, %sqrt3A, %le3A : vector<128x1024xf32>
    %jit3A = arith.constant 1.024000e+03 : f32
    %broadcast_in_dim3A_30 = vector.broadcast %jit3A : f32 to vector<128x1024xf32>
    %select_n3A = arith.select %le3A_29, %convert_element_type3A, %broadcast_in_dim3A_30 : vector<128x1024xi1>, vector<128x1024xf32>
    %reduce_min3A_31 = arith.constant dense<0x7F800000> : vector<128xf32>
    %reduce_min3A_32 = vector.multi_reduction <minimumf>, %select_n3A, %reduce_min3A_31 [1] : vector<128x1024xf32> to vector<128xf32>
    %broadcast_in_dim3A_33 = vector.shape_cast %reduce_min3A_32 : vector<128xf32> to vector<128x1xf32>
    %eq3A = vector.broadcast %broadcast_in_dim3A_33 : vector<128x1xf32> to vector<128x1024xf32>
    %eq3A_34 = arith.cmpf oeq, %convert_element_type3A, %eq3A : vector<128x1024xf32>
    %jit3A_35 = arith.constant 0x7F800000 : f32
    %broadcast_in_dim3A_36 = vector.broadcast %jit3A_35 : f32 to vector<128x1024xf32>
    %select_n3A_37 = arith.select %eq3A_34, %broadcast_in_dim3A_36, %sqrt3A : vector<128x1024xi1>, vector<128x1024xf32>
    %reduce_min3A_38 = arith.constant dense<0x7F800000> : vector<128xf32>
    %reduce_min3A_39 = vector.multi_reduction <minimumf>, %select_n3A_37, %reduce_min3A_38 [1] : vector<128x1024xf32> to vector<128xf32>
    %broadcast_in_dim3A_40 = vector.shape_cast %reduce_min3A_39 : vector<128xf32> to vector<128x1xf32>
    %le3A_41 = vector.broadcast %broadcast_in_dim3A_40 : vector<128x1xf32> to vector<128x1024xf32>
    %le3A_42 = arith.cmpf ole, %select_n3A_37, %le3A_41 : vector<128x1024xf32>
    %jit3A_43 = arith.constant 1.024000e+03 : f32
    %broadcast_in_dim3A_44 = vector.broadcast %jit3A_43 : f32 to vector<128x1024xf32>
    %select_n3A_45 = arith.select %le3A_42, %convert_element_type3A, %broadcast_in_dim3A_44 : vector<128x1024xi1>, vector<128x1024xf32>
    %reduce_min3A_46 = arith.constant dense<0x7F800000> : vector<128xf32>
    %reduce_min3A_47 = vector.multi_reduction <minimumf>, %select_n3A_45, %reduce_min3A_46 [1] : vector<128x1024xf32> to vector<128xf32>
    %broadcast_in_dim3A_48 = vector.shape_cast %reduce_min3A_47 : vector<128xf32> to vector<128x1xf32>
    %eq3A_49 = vector.broadcast %broadcast_in_dim3A_48 : vector<128x1xf32> to vector<128x1024xf32>
    %eq3A_50 = arith.cmpf oeq, %convert_element_type3A, %eq3A_49 : vector<128x1024xf32>
    %jit3A_51 = arith.constant 0x7F800000 : f32
    %broadcast_in_dim3A_52 = vector.broadcast %jit3A_51 : f32 to vector<128x1024xf32>
    %select_n3A_53 = arith.select %eq3A_50, %broadcast_in_dim3A_52, %select_n3A_37 : vector<128x1024xi1>, vector<128x1024xf32>
    %reduce_min3A_54 = arith.constant dense<0x7F800000> : vector<128xf32>
    %reduce_min3A_55 = vector.multi_reduction <minimumf>, %select_n3A_53, %reduce_min3A_54 [1] : vector<128x1024xf32> to vector<128xf32>
    %broadcast_in_dim3A_56 = vector.shape_cast %reduce_min3A_55 : vector<128xf32> to vector<128x1xf32>
    %le3A_57 = vector.broadcast %broadcast_in_dim3A_56 : vector<128x1xf32> to vector<128x1024xf32>
    %le3A_58 = arith.cmpf ole, %select_n3A_53, %le3A_57 : vector<128x1024xf32>
    %jit3A_59 = arith.constant 1.024000e+03 : f32
    %broadcast_in_dim3A_60 = vector.broadcast %jit3A_59 : f32 to vector<128x1024xf32>
    %select_n3A_61 = arith.select %le3A_58, %convert_element_type3A, %broadcast_in_dim3A_60 : vector<128x1024xi1>, vector<128x1024xf32>
    %reduce_min3A_62 = arith.constant dense<0x7F800000> : vector<128xf32>
    %reduce_min3A_63 = vector.multi_reduction <minimumf>, %select_n3A_61, %reduce_min3A_62 [1] : vector<128x1024xf32> to vector<128xf32>
    %broadcast_in_dim3A_64 = vector.shape_cast %reduce_min3A_63 : vector<128xf32> to vector<128x1xf32>
    %eq3A_65 = vector.broadcast %broadcast_in_dim3A_64 : vector<128x1xf32> to vector<128x1024xf32>
    %eq3A_66 = arith.cmpf oeq, %convert_element_type3A, %eq3A_65 : vector<128x1024xf32>
    %jit3A_67 = arith.constant 0x7F800000 : f32
    %broadcast_in_dim3A_68 = vector.broadcast %jit3A_67 : f32 to vector<128x1024xf32>
    %select_n3A_69 = arith.select %eq3A_66, %broadcast_in_dim3A_68, %select_n3A_53 : vector<128x1024xi1>, vector<128x1024xf32>
    %reduce_min3A_70 = arith.constant dense<0x7F800000> : vector<128xf32>
    %reduce_min3A_71 = vector.multi_reduction <minimumf>, %select_n3A_69, %reduce_min3A_70 [1] : vector<128x1024xf32> to vector<128xf32>
    %broadcast_in_dim3A_72 = vector.shape_cast %reduce_min3A_71 : vector<128xf32> to vector<128x1xf32>
    %le3A_73 = vector.broadcast %broadcast_in_dim3A_72 : vector<128x1xf32> to vector<128x1024xf32>
    %le3A_74 = arith.cmpf ole, %select_n3A_69, %le3A_73 : vector<128x1024xf32>
    %jit3A_75 = arith.constant 1.024000e+03 : f32
    %broadcast_in_dim3A_76 = vector.broadcast %jit3A_75 : f32 to vector<128x1024xf32>
    %select_n3A_77 = arith.select %le3A_74, %convert_element_type3A, %broadcast_in_dim3A_76 : vector<128x1024xi1>, vector<128x1024xf32>
    %reduce_min3A_78 = arith.constant dense<0x7F800000> : vector<128xf32>
    %reduce_min3A_79 = vector.multi_reduction <minimumf>, %select_n3A_77, %reduce_min3A_78 [1] : vector<128x1024xf32> to vector<128xf32>
    %broadcast_in_dim3A_80 = vector.shape_cast %reduce_min3A_79 : vector<128xf32> to vector<128x1xf32>
    %eq3A_81 = vector.broadcast %broadcast_in_dim3A_80 : vector<128x1xf32> to vector<128x1024xf32>
    %eq3A_82 = arith.cmpf oeq, %convert_element_type3A, %eq3A_81 : vector<128x1024xf32>
    %jit3A_83 = arith.constant 0x7F800000 : f32
    %broadcast_in_dim3A_84 = vector.broadcast %jit3A_83 : f32 to vector<128x1024xf32>
    %select_n3A_85 = arith.select %eq3A_82, %broadcast_in_dim3A_84, %select_n3A_69 : vector<128x1024xi1>, vector<128x1024xf32>
    %reduce_min3A_86 = arith.constant dense<0x7F800000> : vector<128xf32>
    %reduce_min3A_87 = vector.multi_reduction <minimumf>, %select_n3A_85, %reduce_min3A_86 [1] : vector<128x1024xf32> to vector<128xf32>
    %broadcast_in_dim3A_88 = vector.shape_cast %reduce_min3A_87 : vector<128xf32> to vector<128x1xf32>
    %le3A_89 = vector.broadcast %broadcast_in_dim3A_88 : vector<128x1xf32> to vector<128x1024xf32>
    %le3A_90 = arith.cmpf ole, %select_n3A_85, %le3A_89 : vector<128x1024xf32>
    %jit3A_91 = arith.constant 1.024000e+03 : f32
    %broadcast_in_dim3A_92 = vector.broadcast %jit3A_91 : f32 to vector<128x1024xf32>
    %select_n3A_93 = arith.select %le3A_90, %convert_element_type3A, %broadcast_in_dim3A_92 : vector<128x1024xi1>, vector<128x1024xf32>
    %reduce_min3A_94 = arith.constant dense<0x7F800000> : vector<128xf32>
    %reduce_min3A_95 = vector.multi_reduction <minimumf>, %select_n3A_93, %reduce_min3A_94 [1] : vector<128x1024xf32> to vector<128xf32>
    %broadcast_in_dim3A_96 = vector.shape_cast %reduce_min3A_95 : vector<128xf32> to vector<128x1xf32>
    %eq3A_97 = vector.broadcast %broadcast_in_dim3A_96 : vector<128x1xf32> to vector<128x1024xf32>
    %eq3A_98 = arith.cmpf oeq, %convert_element_type3A, %eq3A_97 : vector<128x1024xf32>
    %jit3A_99 = arith.constant 0x7F800000 : f32
    %broadcast_in_dim3A_100 = vector.broadcast %jit3A_99 : f32 to vector<128x1024xf32>
    %select_n3A_101 = arith.select %eq3A_98, %broadcast_in_dim3A_100, %select_n3A_85 : vector<128x1024xi1>, vector<128x1024xf32>
    %reduce_min3A_102 = arith.constant dense<0x7F800000> : vector<128xf32>
    %reduce_min3A_103 = vector.multi_reduction <minimumf>, %select_n3A_101, %reduce_min3A_102 [1] : vector<128x1024xf32> to vector<128xf32>
    %broadcast_in_dim3A_104 = vector.shape_cast %reduce_min3A_103 : vector<128xf32> to vector<128x1xf32>
    %le3A_105 = vector.broadcast %broadcast_in_dim3A_104 : vector<128x1xf32> to vector<128x1024xf32>
    %le3A_106 = arith.cmpf ole, %select_n3A_101, %le3A_105 : vector<128x1024xf32>
    %jit3A_107 = arith.constant 1.024000e+03 : f32
    %broadcast_in_dim3A_108 = vector.broadcast %jit3A_107 : f32 to vector<128x1024xf32>
    %select_n3A_109 = arith.select %le3A_106, %convert_element_type3A, %broadcast_in_dim3A_108 : vector<128x1024xi1>, vector<128x1024xf32>
    %reduce_min3A_110 = arith.constant dense<0x7F800000> : vector<128xf32>
    %reduce_min3A_111 = vector.multi_reduction <minimumf>, %select_n3A_109, %reduce_min3A_110 [1] : vector<128x1024xf32> to vector<128xf32>
    %broadcast_in_dim3A_112 = vector.shape_cast %reduce_min3A_111 : vector<128xf32> to vector<128x1xf32>
    %eq3A_113 = vector.broadcast %broadcast_in_dim3A_112 : vector<128x1xf32> to vector<128x1024xf32>
    %eq3A_114 = arith.cmpf oeq, %convert_element_type3A, %eq3A_113 : vector<128x1024xf32>
    %jit3A_115 = arith.constant 0x7F800000 : f32
    %broadcast_in_dim3A_116 = vector.broadcast %jit3A_115 : f32 to vector<128x1024xf32>
    %select_n3A_117 = arith.select %eq3A_114, %broadcast_in_dim3A_116, %select_n3A_101 : vector<128x1024xi1>, vector<128x1024xf32>
    %reduce_min3A_118 = arith.constant dense<0x7F800000> : vector<128xf32>
    %reduce_min3A_119 = vector.multi_reduction <minimumf>, %select_n3A_117, %reduce_min3A_118 [1] : vector<128x1024xf32> to vector<128xf32>
    %broadcast_in_dim3A_120 = vector.shape_cast %reduce_min3A_119 : vector<128xf32> to vector<128x1xf32>
    %le3A_121 = vector.broadcast %broadcast_in_dim3A_120 : vector<128x1xf32> to vector<128x1024xf32>
    %le3A_122 = arith.cmpf ole, %select_n3A_117, %le3A_121 : vector<128x1024xf32>
    %jit3A_123 = arith.constant 1.024000e+03 : f32
    %broadcast_in_dim3A_124 = vector.broadcast %jit3A_123 : f32 to vector<128x1024xf32>
    %select_n3A_125 = arith.select %le3A_122, %convert_element_type3A, %broadcast_in_dim3A_124 : vector<128x1024xi1>, vector<128x1024xf32>
    %reduce_min3A_126 = arith.constant dense<0x7F800000> : vector<128xf32>
    %reduce_min3A_127 = vector.multi_reduction <minimumf>, %select_n3A_125, %reduce_min3A_126 [1] : vector<128x1024xf32> to vector<128xf32>
    %broadcast_in_dim3A_128 = vector.shape_cast %reduce_min3A_127 : vector<128xf32> to vector<128x1xf32>
    %eq3A_129 = vector.broadcast %broadcast_in_dim3A_128 : vector<128x1xf32> to vector<128x1024xf32>
    %eq3A_130 = arith.cmpf oeq, %convert_element_type3A, %eq3A_129 : vector<128x1024xf32>
    %jit3A_131 = arith.constant 0x7F800000 : f32
    %broadcast_in_dim3A_132 = vector.broadcast %jit3A_131 : f32 to vector<128x1024xf32>
    %select_n3A_133 = arith.select %eq3A_130, %broadcast_in_dim3A_132, %select_n3A_117 : vector<128x1024xi1>, vector<128x1024xf32>
    %reduce_min3A_134 = arith.constant dense<0x7F800000> : vector<128xf32>
    %reduce_min3A_135 = vector.multi_reduction <minimumf>, %select_n3A_133, %reduce_min3A_134 [1] : vector<128x1024xf32> to vector<128xf32>
    %broadcast_in_dim3A_136 = vector.shape_cast %reduce_min3A_135 : vector<128xf32> to vector<128x1xf32>
    %le3A_137 = vector.broadcast %broadcast_in_dim3A_136 : vector<128x1xf32> to vector<128x1024xf32>
    %le3A_138 = arith.cmpf ole, %select_n3A_133, %le3A_137 : vector<128x1024xf32>
    %jit3A_139 = arith.constant 1.024000e+03 : f32
    %broadcast_in_dim3A_140 = vector.broadcast %jit3A_139 : f32 to vector<128x1024xf32>
    %select_n3A_141 = arith.select %le3A_138, %convert_element_type3A, %broadcast_in_dim3A_140 : vector<128x1024xi1>, vector<128x1024xf32>
    %reduce_min3A_142 = arith.constant dense<0x7F800000> : vector<128xf32>
    %reduce_min3A_143 = vector.multi_reduction <minimumf>, %select_n3A_141, %reduce_min3A_142 [1] : vector<128x1024xf32> to vector<128xf32>
    %broadcast_in_dim3A_144 = vector.shape_cast %reduce_min3A_143 : vector<128xf32> to vector<128x1xf32>
    %eq3A_145 = vector.broadcast %broadcast_in_dim3A_144 : vector<128x1xf32> to vector<128x1024xf32>
    %eq3A_146 = arith.cmpf oeq, %convert_element_type3A, %eq3A_145 : vector<128x1024xf32>
    %jit3A_147 = arith.constant 0x7F800000 : f32
    %broadcast_in_dim3A_148 = vector.broadcast %jit3A_147 : f32 to vector<128x1024xf32>
    %select_n3A_149 = arith.select %eq3A_146, %broadcast_in_dim3A_148, %select_n3A_133 : vector<128x1024xi1>, vector<128x1024xf32>
    %reduce_min3A_150 = arith.constant dense<0x7F800000> : vector<128xf32>
    %reduce_min3A_151 = vector.multi_reduction <minimumf>, %select_n3A_149, %reduce_min3A_150 [1] : vector<128x1024xf32> to vector<128xf32>
    %broadcast_in_dim3A_152 = vector.shape_cast %reduce_min3A_151 : vector<128xf32> to vector<128x1xf32>
    %le3A_153 = vector.broadcast %broadcast_in_dim3A_152 : vector<128x1xf32> to vector<128x1024xf32>
    %le3A_154 = arith.cmpf ole, %select_n3A_149, %le3A_153 : vector<128x1024xf32>
    %jit3A_155 = arith.constant 1.024000e+03 : f32
    %broadcast_in_dim3A_156 = vector.broadcast %jit3A_155 : f32 to vector<128x1024xf32>
    %select_n3A_157 = arith.select %le3A_154, %convert_element_type3A, %broadcast_in_dim3A_156 : vector<128x1024xi1>, vector<128x1024xf32>
    %reduce_min3A_158 = arith.constant dense<0x7F800000> : vector<128xf32>
    %reduce_min3A_159 = vector.multi_reduction <minimumf>, %select_n3A_157, %reduce_min3A_158 [1] : vector<128x1024xf32> to vector<128xf32>
    %broadcast_in_dim3A_160 = vector.shape_cast %reduce_min3A_159 : vector<128xf32> to vector<128x1xf32>
    %eq3A_161 = vector.broadcast %broadcast_in_dim3A_160 : vector<128x1xf32> to vector<128x1024xf32>
    %eq3A_162 = arith.cmpf oeq, %convert_element_type3A, %eq3A_161 : vector<128x1024xf32>
    %jit3A_163 = arith.constant 0x7F800000 : f32
    %broadcast_in_dim3A_164 = vector.broadcast %jit3A_163 : f32 to vector<128x1024xf32>
    %select_n3A_165 = arith.select %eq3A_162, %broadcast_in_dim3A_164, %select_n3A_149 : vector<128x1024xi1>, vector<128x1024xf32>
    %reduce_min3A_166 = arith.constant dense<0x7F800000> : vector<128xf32>
    %reduce_min3A_167 = vector.multi_reduction <minimumf>, %select_n3A_165, %reduce_min3A_166 [1] : vector<128x1024xf32> to vector<128xf32>
    %broadcast_in_dim3A_168 = vector.shape_cast %reduce_min3A_167 : vector<128xf32> to vector<128x1xf32>
    %le3A_169 = vector.broadcast %broadcast_in_dim3A_168 : vector<128x1xf32> to vector<128x1024xf32>
    %le3A_170 = arith.cmpf ole, %select_n3A_165, %le3A_169 : vector<128x1024xf32>
    %jit3A_171 = arith.constant 1.024000e+03 : f32
    %broadcast_in_dim3A_172 = vector.broadcast %jit3A_171 : f32 to vector<128x1024xf32>
    %select_n3A_173 = arith.select %le3A_170, %convert_element_type3A, %broadcast_in_dim3A_172 : vector<128x1024xi1>, vector<128x1024xf32>
    %reduce_min3A_174 = arith.constant dense<0x7F800000> : vector<128xf32>
    %reduce_min3A_175 = vector.multi_reduction <minimumf>, %select_n3A_173, %reduce_min3A_174 [1] : vector<128x1024xf32> to vector<128xf32>
    %broadcast_in_dim3A_176 = vector.shape_cast %reduce_min3A_175 : vector<128xf32> to vector<128x1xf32>
    %eq3A_177 = vector.broadcast %broadcast_in_dim3A_176 : vector<128x1xf32> to vector<128x1024xf32>
    %eq3A_178 = arith.cmpf oeq, %convert_element_type3A, %eq3A_177 : vector<128x1024xf32>
    %jit3A_179 = arith.constant 0x7F800000 : f32
    %broadcast_in_dim3A_180 = vector.broadcast %jit3A_179 : f32 to vector<128x1024xf32>
    %select_n3A_181 = arith.select %eq3A_178, %broadcast_in_dim3A_180, %select_n3A_165 : vector<128x1024xi1>, vector<128x1024xf32>
    %reduce_min3A_182 = arith.constant dense<0x7F800000> : vector<128xf32>
    %reduce_min3A_183 = vector.multi_reduction <minimumf>, %select_n3A_181, %reduce_min3A_182 [1] : vector<128x1024xf32> to vector<128xf32>
    %broadcast_in_dim3A_184 = vector.shape_cast %reduce_min3A_183 : vector<128xf32> to vector<128x1xf32>
    %le3A_185 = vector.broadcast %broadcast_in_dim3A_184 : vector<128x1xf32> to vector<128x1024xf32>
    %le3A_186 = arith.cmpf ole, %select_n3A_181, %le3A_185 : vector<128x1024xf32>
    %jit3A_187 = arith.constant 1.024000e+03 : f32
    %broadcast_in_dim3A_188 = vector.broadcast %jit3A_187 : f32 to vector<128x1024xf32>
    %select_n3A_189 = arith.select %le3A_186, %convert_element_type3A, %broadcast_in_dim3A_188 : vector<128x1024xi1>, vector<128x1024xf32>
    %reduce_min3A_190 = arith.constant dense<0x7F800000> : vector<128xf32>
    %reduce_min3A_191 = vector.multi_reduction <minimumf>, %select_n3A_189, %reduce_min3A_190 [1] : vector<128x1024xf32> to vector<128xf32>
    %broadcast_in_dim3A_192 = vector.shape_cast %reduce_min3A_191 : vector<128xf32> to vector<128x1xf32>
    %eq3A_193 = vector.broadcast %broadcast_in_dim3A_192 : vector<128x1xf32> to vector<128x1024xf32>
    %eq3A_194 = arith.cmpf oeq, %convert_element_type3A, %eq3A_193 : vector<128x1024xf32>
    %jit3A_195 = arith.constant 0x7F800000 : f32
    %broadcast_in_dim3A_196 = vector.broadcast %jit3A_195 : f32 to vector<128x1024xf32>
    %select_n3A_197 = arith.select %eq3A_194, %broadcast_in_dim3A_196, %select_n3A_181 : vector<128x1024xi1>, vector<128x1024xf32>
    %reduce_min3A_198 = arith.constant dense<0x7F800000> : vector<128xf32>
    %reduce_min3A_199 = vector.multi_reduction <minimumf>, %select_n3A_197, %reduce_min3A_198 [1] : vector<128x1024xf32> to vector<128xf32>
    %broadcast_in_dim3A_200 = vector.shape_cast %reduce_min3A_199 : vector<128xf32> to vector<128x1xf32>
    %le3A_201 = vector.broadcast %broadcast_in_dim3A_200 : vector<128x1xf32> to vector<128x1024xf32>
    %le3A_202 = arith.cmpf ole, %select_n3A_197, %le3A_201 : vector<128x1024xf32>
    %jit3A_203 = arith.constant 1.024000e+03 : f32
    %broadcast_in_dim3A_204 = vector.broadcast %jit3A_203 : f32 to vector<128x1024xf32>
    %select_n3A_205 = arith.select %le3A_202, %convert_element_type3A, %broadcast_in_dim3A_204 : vector<128x1024xi1>, vector<128x1024xf32>
    %reduce_min3A_206 = arith.constant dense<0x7F800000> : vector<128xf32>
    %reduce_min3A_207 = vector.multi_reduction <minimumf>, %select_n3A_205, %reduce_min3A_206 [1] : vector<128x1024xf32> to vector<128xf32>
    %broadcast_in_dim3A_208 = vector.shape_cast %reduce_min3A_207 : vector<128xf32> to vector<128x1xf32>
    %eq3A_209 = vector.broadcast %broadcast_in_dim3A_208 : vector<128x1xf32> to vector<128x1024xf32>
    %eq3A_210 = arith.cmpf oeq, %convert_element_type3A, %eq3A_209 : vector<128x1024xf32>
    %jit3A_211 = arith.constant 0x7F800000 : f32
    %broadcast_in_dim3A_212 = vector.broadcast %jit3A_211 : f32 to vector<128x1024xf32>
    %select_n3A_213 = arith.select %eq3A_210, %broadcast_in_dim3A_212, %select_n3A_197 : vector<128x1024xi1>, vector<128x1024xf32>
    %reduce_min3A_214 = arith.constant dense<0x7F800000> : vector<128xf32>
    %reduce_min3A_215 = vector.multi_reduction <minimumf>, %select_n3A_213, %reduce_min3A_214 [1] : vector<128x1024xf32> to vector<128xf32>
    %broadcast_in_dim3A_216 = vector.shape_cast %reduce_min3A_215 : vector<128xf32> to vector<128x1xf32>
    %le3A_217 = vector.broadcast %broadcast_in_dim3A_216 : vector<128x1xf32> to vector<128x1024xf32>
    %le3A_218 = arith.cmpf ole, %select_n3A_213, %le3A_217 : vector<128x1024xf32>
    %jit3A_219 = arith.constant 1.024000e+03 : f32
    %broadcast_in_dim3A_220 = vector.broadcast %jit3A_219 : f32 to vector<128x1024xf32>
    %select_n3A_221 = arith.select %le3A_218, %convert_element_type3A, %broadcast_in_dim3A_220 : vector<128x1024xi1>, vector<128x1024xf32>
    %reduce_min3A_222 = arith.constant dense<0x7F800000> : vector<128xf32>
    %reduce_min3A_223 = vector.multi_reduction <minimumf>, %select_n3A_221, %reduce_min3A_222 [1] : vector<128x1024xf32> to vector<128xf32>
    %broadcast_in_dim3A_224 = vector.shape_cast %reduce_min3A_223 : vector<128xf32> to vector<128x1xf32>
    %eq3A_225 = vector.broadcast %broadcast_in_dim3A_224 : vector<128x1xf32> to vector<128x1024xf32>
    %eq3A_226 = arith.cmpf oeq, %convert_element_type3A, %eq3A_225 : vector<128x1024xf32>
    %jit3A_227 = arith.constant 0x7F800000 : f32
    %broadcast_in_dim3A_228 = vector.broadcast %jit3A_227 : f32 to vector<128x1024xf32>
    %select_n3A_229 = arith.select %eq3A_226, %broadcast_in_dim3A_228, %select_n3A_213 : vector<128x1024xi1>, vector<128x1024xf32>
    %reduce_min3A_230 = arith.constant dense<0x7F800000> : vector<128xf32>
    %reduce_min3A_231 = vector.multi_reduction <minimumf>, %select_n3A_229, %reduce_min3A_230 [1] : vector<128x1024xf32> to vector<128xf32>
    %broadcast_in_dim3A_232 = vector.shape_cast %reduce_min3A_231 : vector<128xf32> to vector<128x1xf32>
    %le3A_233 = vector.broadcast %broadcast_in_dim3A_232 : vector<128x1xf32> to vector<128x1024xf32>
    %le3A_234 = arith.cmpf ole, %select_n3A_229, %le3A_233 : vector<128x1024xf32>
    %jit3A_235 = arith.constant 1.024000e+03 : f32
    %broadcast_in_dim3A_236 = vector.broadcast %jit3A_235 : f32 to vector<128x1024xf32>
    %select_n3A_237 = arith.select %le3A_234, %convert_element_type3A, %broadcast_in_dim3A_236 : vector<128x1024xi1>, vector<128x1024xf32>
    %reduce_min3A_238 = arith.constant dense<0x7F800000> : vector<128xf32>
    %reduce_min3A_239 = vector.multi_reduction <minimumf>, %select_n3A_237, %reduce_min3A_238 [1] : vector<128x1024xf32> to vector<128xf32>
    %broadcast_in_dim3A_240 = vector.shape_cast %reduce_min3A_239 : vector<128xf32> to vector<128x1xf32>
    %eq3A_241 = vector.broadcast %broadcast_in_dim3A_240 : vector<128x1xf32> to vector<128x1024xf32>
    %eq3A_242 = arith.cmpf oeq, %convert_element_type3A, %eq3A_241 : vector<128x1024xf32>
    %jit3A_243 = arith.constant 0x7F800000 : f32
    %broadcast_in_dim3A_244 = vector.broadcast %jit3A_243 : f32 to vector<128x1024xf32>
    %select_n3A_245 = arith.select %eq3A_242, %broadcast_in_dim3A_244, %select_n3A_229 : vector<128x1024xi1>, vector<128x1024xf32>
    %reduce_min3A_246 = arith.constant dense<0x7F800000> : vector<128xf32>
    %reduce_min3A_247 = vector.multi_reduction <minimumf>, %select_n3A_245, %reduce_min3A_246 [1] : vector<128x1024xf32> to vector<128xf32>
    %broadcast_in_dim3A_248 = vector.shape_cast %reduce_min3A_247 : vector<128xf32> to vector<128x1xf32>
    %le3A_249 = vector.broadcast %broadcast_in_dim3A_248 : vector<128x1xf32> to vector<128x1024xf32>
    %le3A_250 = arith.cmpf ole, %select_n3A_245, %le3A_249 : vector<128x1024xf32>
    %jit3A_251 = arith.constant 1.024000e+03 : f32
    %broadcast_in_dim3A_252 = vector.broadcast %jit3A_251 : f32 to vector<128x1024xf32>
    %select_n3A_253 = arith.select %le3A_250, %convert_element_type3A, %broadcast_in_dim3A_252 : vector<128x1024xi1>, vector<128x1024xf32>
    %reduce_min3A_254 = arith.constant dense<0x7F800000> : vector<128xf32>
    %reduce_min3A_255 = vector.multi_reduction <minimumf>, %select_n3A_253, %reduce_min3A_254 [1] : vector<128x1024xf32> to vector<128xf32>
    %broadcast_in_dim3A_256 = vector.shape_cast %reduce_min3A_255 : vector<128xf32> to vector<128x1xf32>
    %eq3A_257 = vector.broadcast %broadcast_in_dim3A_256 : vector<128x1xf32> to vector<128x1024xf32>
    %eq3A_258 = arith.cmpf oeq, %convert_element_type3A, %eq3A_257 : vector<128x1024xf32>
    %jit3A_259 = arith.constant 0x7F800000 : f32
    %broadcast_in_dim3A_260 = vector.broadcast %jit3A_259 : f32 to vector<128x1024xf32>
    %select_n3A_261 = arith.select %eq3A_258, %broadcast_in_dim3A_260, %select_n3A_245 : vector<128x1024xi1>, vector<128x1024xf32>
    %reduce_min3A_262 = arith.constant dense<0x7F800000> : vector<128xf32>
    %reduce_min3A_263 = vector.multi_reduction <minimumf>, %select_n3A_261, %reduce_min3A_262 [1] : vector<128x1024xf32> to vector<128xf32>
    %broadcast_in_dim3A_264 = vector.shape_cast %reduce_min3A_263 : vector<128xf32> to vector<128x1xf32>
    %le3A_265 = vector.broadcast %broadcast_in_dim3A_264 : vector<128x1xf32> to vector<128x1024xf32>
    %le3A_266 = arith.cmpf ole, %select_n3A_261, %le3A_265 : vector<128x1024xf32>
    %jit3A_267 = arith.constant 1.024000e+03 : f32
    %broadcast_in_dim3A_268 = vector.broadcast %jit3A_267 : f32 to vector<128x1024xf32>
    %select_n3A_269 = arith.select %le3A_266, %convert_element_type3A, %broadcast_in_dim3A_268 : vector<128x1024xi1>, vector<128x1024xf32>
    %reduce_min3A_270 = arith.constant dense<0x7F800000> : vector<128xf32>
    %reduce_min3A_271 = vector.multi_reduction <minimumf>, %select_n3A_269, %reduce_min3A_270 [1] : vector<128x1024xf32> to vector<128xf32>
    %broadcast_in_dim3A_272 = vector.shape_cast %reduce_min3A_271 : vector<128xf32> to vector<128x1xf32>
    %eq3A_273 = vector.broadcast %broadcast_in_dim3A_272 : vector<128x1xf32> to vector<128x1024xf32>
    %eq3A_274 = arith.cmpf oeq, %convert_element_type3A, %eq3A_273 : vector<128x1024xf32>
    %jit3A_275 = arith.constant 0x7F800000 : f32
    %broadcast_in_dim3A_276 = vector.broadcast %jit3A_275 : f32 to vector<128x1024xf32>
    %select_n3A_277 = arith.select %eq3A_274, %broadcast_in_dim3A_276, %select_n3A_261 : vector<128x1024xi1>, vector<128x1024xf32>
    %reduce_min3A_278 = arith.constant dense<0x7F800000> : vector<128xf32>
    %reduce_min3A_279 = vector.multi_reduction <minimumf>, %select_n3A_277, %reduce_min3A_278 [1] : vector<128x1024xf32> to vector<128xf32>
    %broadcast_in_dim3A_280 = vector.shape_cast %reduce_min3A_279 : vector<128xf32> to vector<128x1xf32>
    %le3A_281 = vector.broadcast %broadcast_in_dim3A_280 : vector<128x1xf32> to vector<128x1024xf32>
    %le3A_282 = arith.cmpf ole, %select_n3A_277, %le3A_281 : vector<128x1024xf32>
    %jit3A_283 = arith.constant 1.024000e+03 : f32
    %broadcast_in_dim3A_284 = vector.broadcast %jit3A_283 : f32 to vector<128x1024xf32>
    %select_n3A_285 = arith.select %le3A_282, %convert_element_type3A, %broadcast_in_dim3A_284 : vector<128x1024xi1>, vector<128x1024xf32>
    %reduce_min3A_286 = arith.constant dense<0x7F800000> : vector<128xf32>
    %reduce_min3A_287 = vector.multi_reduction <minimumf>, %select_n3A_285, %reduce_min3A_286 [1] : vector<128x1024xf32> to vector<128xf32>
    %broadcast_in_dim3A_288 = vector.shape_cast %reduce_min3A_287 : vector<128xf32> to vector<128x1xf32>
    %eq3A_289 = vector.broadcast %broadcast_in_dim3A_288 : vector<128x1xf32> to vector<128x1024xf32>
    %eq3A_290 = arith.cmpf oeq, %convert_element_type3A, %eq3A_289 : vector<128x1024xf32>
    %jit3A_291 = arith.constant 0x7F800000 : f32
    %broadcast_in_dim3A_292 = vector.broadcast %jit3A_291 : f32 to vector<128x1024xf32>
    %select_n3A_293 = arith.select %eq3A_290, %broadcast_in_dim3A_292, %select_n3A_277 : vector<128x1024xi1>, vector<128x1024xf32>
    %reduce_min3A_294 = arith.constant dense<0x7F800000> : vector<128xf32>
    %reduce_min3A_295 = vector.multi_reduction <minimumf>, %select_n3A_293, %reduce_min3A_294 [1] : vector<128x1024xf32> to vector<128xf32>
    %broadcast_in_dim3A_296 = vector.shape_cast %reduce_min3A_295 : vector<128xf32> to vector<128x1xf32>
    %le3A_297 = vector.broadcast %broadcast_in_dim3A_296 : vector<128x1xf32> to vector<128x1024xf32>
    %le3A_298 = arith.cmpf ole, %select_n3A_293, %le3A_297 : vector<128x1024xf32>
    %jit3A_299 = arith.constant 1.024000e+03 : f32
    %broadcast_in_dim3A_300 = vector.broadcast %jit3A_299 : f32 to vector<128x1024xf32>
    %select_n3A_301 = arith.select %le3A_298, %convert_element_type3A, %broadcast_in_dim3A_300 : vector<128x1024xi1>, vector<128x1024xf32>
    %reduce_min3A_302 = arith.constant dense<0x7F800000> : vector<128xf32>
    %reduce_min3A_303 = vector.multi_reduction <minimumf>, %select_n3A_301, %reduce_min3A_302 [1] : vector<128x1024xf32> to vector<128xf32>
    %broadcast_in_dim3A_304 = vector.shape_cast %reduce_min3A_303 : vector<128xf32> to vector<128x1xf32>
    %eq3A_305 = vector.broadcast %broadcast_in_dim3A_304 : vector<128x1xf32> to vector<128x1024xf32>
    %eq3A_306 = arith.cmpf oeq, %convert_element_type3A, %eq3A_305 : vector<128x1024xf32>
    %jit3A_307 = arith.constant 0x7F800000 : f32
    %broadcast_in_dim3A_308 = vector.broadcast %jit3A_307 : f32 to vector<128x1024xf32>
    %select_n3A_309 = arith.select %eq3A_306, %broadcast_in_dim3A_308, %select_n3A_293 : vector<128x1024xi1>, vector<128x1024xf32>
    %reduce_min3A_310 = arith.constant dense<0x7F800000> : vector<128xf32>
    %reduce_min3A_311 = vector.multi_reduction <minimumf>, %select_n3A_309, %reduce_min3A_310 [1] : vector<128x1024xf32> to vector<128xf32>
    %broadcast_in_dim3A_312 = vector.shape_cast %reduce_min3A_311 : vector<128xf32> to vector<128x1xf32>
    %le3A_313 = vector.broadcast %broadcast_in_dim3A_312 : vector<128x1xf32> to vector<128x1024xf32>
    %le3A_314 = arith.cmpf ole, %select_n3A_309, %le3A_313 : vector<128x1024xf32>
    %jit3A_315 = arith.constant 1.024000e+03 : f32
    %broadcast_in_dim3A_316 = vector.broadcast %jit3A_315 : f32 to vector<128x1024xf32>
    %select_n3A_317 = arith.select %le3A_314, %convert_element_type3A, %broadcast_in_dim3A_316 : vector<128x1024xi1>, vector<128x1024xf32>
    %reduce_min3A_318 = arith.constant dense<0x7F800000> : vector<128xf32>
    %reduce_min3A_319 = vector.multi_reduction <minimumf>, %select_n3A_317, %reduce_min3A_318 [1] : vector<128x1024xf32> to vector<128xf32>
    %broadcast_in_dim3A_320 = vector.shape_cast %reduce_min3A_319 : vector<128xf32> to vector<128x1xf32>
    %eq3A_321 = vector.broadcast %broadcast_in_dim3A_320 : vector<128x1xf32> to vector<128x1024xf32>
    %eq3A_322 = arith.cmpf oeq, %convert_element_type3A, %eq3A_321 : vector<128x1024xf32>
    %jit3A_323 = arith.constant 0x7F800000 : f32
    %broadcast_in_dim3A_324 = vector.broadcast %jit3A_323 : f32 to vector<128x1024xf32>
    %select_n3A_325 = arith.select %eq3A_322, %broadcast_in_dim3A_324, %select_n3A_309 : vector<128x1024xi1>, vector<128x1024xf32>
    %reduce_min3A_326 = arith.constant dense<0x7F800000> : vector<128xf32>
    %reduce_min3A_327 = vector.multi_reduction <minimumf>, %select_n3A_325, %reduce_min3A_326 [1] : vector<128x1024xf32> to vector<128xf32>
    %broadcast_in_dim3A_328 = vector.shape_cast %reduce_min3A_327 : vector<128xf32> to vector<128x1xf32>
    %le3A_329 = vector.broadcast %broadcast_in_dim3A_328 : vector<128x1xf32> to vector<128x1024xf32>
    %le3A_330 = arith.cmpf ole, %select_n3A_325, %le3A_329 : vector<128x1024xf32>
    %jit3A_331 = arith.constant 1.024000e+03 : f32
    %broadcast_in_dim3A_332 = vector.broadcast %jit3A_331 : f32 to vector<128x1024xf32>
    %select_n3A_333 = arith.select %le3A_330, %convert_element_type3A, %broadcast_in_dim3A_332 : vector<128x1024xi1>, vector<128x1024xf32>
    %reduce_min3A_334 = arith.constant dense<0x7F800000> : vector<128xf32>
    %reduce_min3A_335 = vector.multi_reduction <minimumf>, %select_n3A_333, %reduce_min3A_334 [1] : vector<128x1024xf32> to vector<128xf32>
    %broadcast_in_dim3A_336 = vector.shape_cast %reduce_min3A_335 : vector<128xf32> to vector<128x1xf32>
    %eq3A_337 = vector.broadcast %broadcast_in_dim3A_336 : vector<128x1xf32> to vector<128x1024xf32>
    %eq3A_338 = arith.cmpf oeq, %convert_element_type3A, %eq3A_337 : vector<128x1024xf32>
    %jit3A_339 = arith.constant 0x7F800000 : f32
    %broadcast_in_dim3A_340 = vector.broadcast %jit3A_339 : f32 to vector<128x1024xf32>
    %select_n3A_341 = arith.select %eq3A_338, %broadcast_in_dim3A_340, %select_n3A_325 : vector<128x1024xi1>, vector<128x1024xf32>
    %reduce_min3A_342 = arith.constant dense<0x7F800000> : vector<128xf32>
    %reduce_min3A_343 = vector.multi_reduction <minimumf>, %select_n3A_341, %reduce_min3A_342 [1] : vector<128x1024xf32> to vector<128xf32>
    %broadcast_in_dim3A_344 = vector.shape_cast %reduce_min3A_343 : vector<128xf32> to vector<128x1xf32>
    %le3A_345 = vector.broadcast %broadcast_in_dim3A_344 : vector<128x1xf32> to vector<128x1024xf32>
    %le3A_346 = arith.cmpf ole, %select_n3A_341, %le3A_345 : vector<128x1024xf32>
    %jit3A_347 = arith.constant 1.024000e+03 : f32
    %broadcast_in_dim3A_348 = vector.broadcast %jit3A_347 : f32 to vector<128x1024xf32>
    %select_n3A_349 = arith.select %le3A_346, %convert_element_type3A, %broadcast_in_dim3A_348 : vector<128x1024xi1>, vector<128x1024xf32>
    %reduce_min3A_350 = arith.constant dense<0x7F800000> : vector<128xf32>
    %reduce_min3A_351 = vector.multi_reduction <minimumf>, %select_n3A_349, %reduce_min3A_350 [1] : vector<128x1024xf32> to vector<128xf32>
    %broadcast_in_dim3A_352 = vector.shape_cast %reduce_min3A_351 : vector<128xf32> to vector<128x1xf32>
    %eq3A_353 = vector.broadcast %broadcast_in_dim3A_352 : vector<128x1xf32> to vector<128x1024xf32>
    %eq3A_354 = arith.cmpf oeq, %convert_element_type3A, %eq3A_353 : vector<128x1024xf32>
    %jit3A_355 = arith.constant 0x7F800000 : f32
    %broadcast_in_dim3A_356 = vector.broadcast %jit3A_355 : f32 to vector<128x1024xf32>
    %select_n3A_357 = arith.select %eq3A_354, %broadcast_in_dim3A_356, %select_n3A_341 : vector<128x1024xi1>, vector<128x1024xf32>
    %reduce_min3A_358 = arith.constant dense<0x7F800000> : vector<128xf32>
    %reduce_min3A_359 = vector.multi_reduction <minimumf>, %select_n3A_357, %reduce_min3A_358 [1] : vector<128x1024xf32> to vector<128xf32>
    %broadcast_in_dim3A_360 = vector.shape_cast %reduce_min3A_359 : vector<128xf32> to vector<128x1xf32>
    %le3A_361 = vector.broadcast %broadcast_in_dim3A_360 : vector<128x1xf32> to vector<128x1024xf32>
    %le3A_362 = arith.cmpf ole, %select_n3A_357, %le3A_361 : vector<128x1024xf32>
    %jit3A_363 = arith.constant 1.024000e+03 : f32
    %broadcast_in_dim3A_364 = vector.broadcast %jit3A_363 : f32 to vector<128x1024xf32>
    %select_n3A_365 = arith.select %le3A_362, %convert_element_type3A, %broadcast_in_dim3A_364 : vector<128x1024xi1>, vector<128x1024xf32>
    %reduce_min3A_366 = arith.constant dense<0x7F800000> : vector<128xf32>
    %reduce_min3A_367 = vector.multi_reduction <minimumf>, %select_n3A_365, %reduce_min3A_366 [1] : vector<128x1024xf32> to vector<128xf32>
    %broadcast_in_dim3A_368 = vector.shape_cast %reduce_min3A_367 : vector<128xf32> to vector<128x1xf32>
    %eq3A_369 = vector.broadcast %broadcast_in_dim3A_368 : vector<128x1xf32> to vector<128x1024xf32>
    %eq3A_370 = arith.cmpf oeq, %convert_element_type3A, %eq3A_369 : vector<128x1024xf32>
    %jit3A_371 = arith.constant 0x7F800000 : f32
    %broadcast_in_dim3A_372 = vector.broadcast %jit3A_371 : f32 to vector<128x1024xf32>
    %select_n3A_373 = arith.select %eq3A_370, %broadcast_in_dim3A_372, %select_n3A_357 : vector<128x1024xi1>, vector<128x1024xf32>
    %reduce_min3A_374 = arith.constant dense<0x7F800000> : vector<128xf32>
    %reduce_min3A_375 = vector.multi_reduction <minimumf>, %select_n3A_373, %reduce_min3A_374 [1] : vector<128x1024xf32> to vector<128xf32>
    %broadcast_in_dim3A_376 = vector.shape_cast %reduce_min3A_375 : vector<128xf32> to vector<128x1xf32>
    %le3A_377 = vector.broadcast %broadcast_in_dim3A_376 : vector<128x1xf32> to vector<128x1024xf32>
    %le3A_378 = arith.cmpf ole, %select_n3A_373, %le3A_377 : vector<128x1024xf32>
    %jit3A_379 = arith.constant 1.024000e+03 : f32
    %broadcast_in_dim3A_380 = vector.broadcast %jit3A_379 : f32 to vector<128x1024xf32>
    %select_n3A_381 = arith.select %le3A_378, %convert_element_type3A, %broadcast_in_dim3A_380 : vector<128x1024xi1>, vector<128x1024xf32>
    %reduce_min3A_382 = arith.constant dense<0x7F800000> : vector<128xf32>
    %reduce_min3A_383 = vector.multi_reduction <minimumf>, %select_n3A_381, %reduce_min3A_382 [1] : vector<128x1024xf32> to vector<128xf32>
    %broadcast_in_dim3A_384 = vector.shape_cast %reduce_min3A_383 : vector<128xf32> to vector<128x1xf32>
    %eq3A_385 = vector.broadcast %broadcast_in_dim3A_384 : vector<128x1xf32> to vector<128x1024xf32>
    %eq3A_386 = arith.cmpf oeq, %convert_element_type3A, %eq3A_385 : vector<128x1024xf32>
    %jit3A_387 = arith.constant 0x7F800000 : f32
    %broadcast_in_dim3A_388 = vector.broadcast %jit3A_387 : f32 to vector<128x1024xf32>
    %select_n3A_389 = arith.select %eq3A_386, %broadcast_in_dim3A_388, %select_n3A_373 : vector<128x1024xi1>, vector<128x1024xf32>
    %reduce_min3A_390 = arith.constant dense<0x7F800000> : vector<128xf32>
    %reduce_min3A_391 = vector.multi_reduction <minimumf>, %select_n3A_389, %reduce_min3A_390 [1] : vector<128x1024xf32> to vector<128xf32>
    %broadcast_in_dim3A_392 = vector.shape_cast %reduce_min3A_391 : vector<128xf32> to vector<128x1xf32>
    %le3A_393 = vector.broadcast %broadcast_in_dim3A_392 : vector<128x1xf32> to vector<128x1024xf32>
    %le3A_394 = arith.cmpf ole, %select_n3A_389, %le3A_393 : vector<128x1024xf32>
    %jit3A_395 = arith.constant 1.024000e+03 : f32
    %broadcast_in_dim3A_396 = vector.broadcast %jit3A_395 : f32 to vector<128x1024xf32>
    %select_n3A_397 = arith.select %le3A_394, %convert_element_type3A, %broadcast_in_dim3A_396 : vector<128x1024xi1>, vector<128x1024xf32>
    %reduce_min3A_398 = arith.constant dense<0x7F800000> : vector<128xf32>
    %reduce_min3A_399 = vector.multi_reduction <minimumf>, %select_n3A_397, %reduce_min3A_398 [1] : vector<128x1024xf32> to vector<128xf32>
    %broadcast_in_dim3A_400 = vector.shape_cast %reduce_min3A_399 : vector<128xf32> to vector<128x1xf32>
    %eq3A_401 = vector.broadcast %broadcast_in_dim3A_400 : vector<128x1xf32> to vector<128x1024xf32>
    %eq3A_402 = arith.cmpf oeq, %convert_element_type3A, %eq3A_401 : vector<128x1024xf32>
    %jit3A_403 = arith.constant 0x7F800000 : f32
    %broadcast_in_dim3A_404 = vector.broadcast %jit3A_403 : f32 to vector<128x1024xf32>
    %select_n3A_405 = arith.select %eq3A_402, %broadcast_in_dim3A_404, %select_n3A_389 : vector<128x1024xi1>, vector<128x1024xf32>
    %reduce_min3A_406 = arith.constant dense<0x7F800000> : vector<128xf32>
    %reduce_min3A_407 = vector.multi_reduction <minimumf>, %select_n3A_405, %reduce_min3A_406 [1] : vector<128x1024xf32> to vector<128xf32>
    %broadcast_in_dim3A_408 = vector.shape_cast %reduce_min3A_407 : vector<128xf32> to vector<128x1xf32>
    %le3A_409 = vector.broadcast %broadcast_in_dim3A_408 : vector<128x1xf32> to vector<128x1024xf32>
    %le3A_410 = arith.cmpf ole, %select_n3A_405, %le3A_409 : vector<128x1024xf32>
    %jit3A_411 = arith.constant 1.024000e+03 : f32
    %broadcast_in_dim3A_412 = vector.broadcast %jit3A_411 : f32 to vector<128x1024xf32>
    %select_n3A_413 = arith.select %le3A_410, %convert_element_type3A, %broadcast_in_dim3A_412 : vector<128x1024xi1>, vector<128x1024xf32>
    %reduce_min3A_414 = arith.constant dense<0x7F800000> : vector<128xf32>
    %reduce_min3A_415 = vector.multi_reduction <minimumf>, %select_n3A_413, %reduce_min3A_414 [1] : vector<128x1024xf32> to vector<128xf32>
    %broadcast_in_dim3A_416 = vector.shape_cast %reduce_min3A_415 : vector<128xf32> to vector<128x1xf32>
    %eq3A_417 = vector.broadcast %broadcast_in_dim3A_416 : vector<128x1xf32> to vector<128x1024xf32>
    %eq3A_418 = arith.cmpf oeq, %convert_element_type3A, %eq3A_417 : vector<128x1024xf32>
    %jit3A_419 = arith.constant 0x7F800000 : f32
    %broadcast_in_dim3A_420 = vector.broadcast %jit3A_419 : f32 to vector<128x1024xf32>
    %select_n3A_421 = arith.select %eq3A_418, %broadcast_in_dim3A_420, %select_n3A_405 : vector<128x1024xi1>, vector<128x1024xf32>
    %reduce_min3A_422 = arith.constant dense<0x7F800000> : vector<128xf32>
    %reduce_min3A_423 = vector.multi_reduction <minimumf>, %select_n3A_421, %reduce_min3A_422 [1] : vector<128x1024xf32> to vector<128xf32>
    %broadcast_in_dim3A_424 = vector.shape_cast %reduce_min3A_423 : vector<128xf32> to vector<128x1xf32>
    %le3A_425 = vector.broadcast %broadcast_in_dim3A_424 : vector<128x1xf32> to vector<128x1024xf32>
    %le3A_426 = arith.cmpf ole, %select_n3A_421, %le3A_425 : vector<128x1024xf32>
    %jit3A_427 = arith.constant 1.024000e+03 : f32
    %broadcast_in_dim3A_428 = vector.broadcast %jit3A_427 : f32 to vector<128x1024xf32>
    %select_n3A_429 = arith.select %le3A_426, %convert_element_type3A, %broadcast_in_dim3A_428 : vector<128x1024xi1>, vector<128x1024xf32>
    %reduce_min3A_430 = arith.constant dense<0x7F800000> : vector<128xf32>
    %reduce_min3A_431 = vector.multi_reduction <minimumf>, %select_n3A_429, %reduce_min3A_430 [1] : vector<128x1024xf32> to vector<128xf32>
    %broadcast_in_dim3A_432 = vector.shape_cast %reduce_min3A_431 : vector<128xf32> to vector<128x1xf32>
    %eq3A_433 = vector.broadcast %broadcast_in_dim3A_432 : vector<128x1xf32> to vector<128x1024xf32>
    %eq3A_434 = arith.cmpf oeq, %convert_element_type3A, %eq3A_433 : vector<128x1024xf32>
    %jit3A_435 = arith.constant 0x7F800000 : f32
    %broadcast_in_dim3A_436 = vector.broadcast %jit3A_435 : f32 to vector<128x1024xf32>
    %select_n3A_437 = arith.select %eq3A_434, %broadcast_in_dim3A_436, %select_n3A_421 : vector<128x1024xi1>, vector<128x1024xf32>
    %reduce_min3A_438 = arith.constant dense<0x7F800000> : vector<128xf32>
    %reduce_min3A_439 = vector.multi_reduction <minimumf>, %select_n3A_437, %reduce_min3A_438 [1] : vector<128x1024xf32> to vector<128xf32>
    %broadcast_in_dim3A_440 = vector.shape_cast %reduce_min3A_439 : vector<128xf32> to vector<128x1xf32>
    %le3A_441 = vector.broadcast %broadcast_in_dim3A_440 : vector<128x1xf32> to vector<128x1024xf32>
    %le3A_442 = arith.cmpf ole, %select_n3A_437, %le3A_441 : vector<128x1024xf32>
    %jit3A_443 = arith.constant 1.024000e+03 : f32
    %broadcast_in_dim3A_444 = vector.broadcast %jit3A_443 : f32 to vector<128x1024xf32>
    %select_n3A_445 = arith.select %le3A_442, %convert_element_type3A, %broadcast_in_dim3A_444 : vector<128x1024xi1>, vector<128x1024xf32>
    %reduce_min3A_446 = arith.constant dense<0x7F800000> : vector<128xf32>
    %reduce_min3A_447 = vector.multi_reduction <minimumf>, %select_n3A_445, %reduce_min3A_446 [1] : vector<128x1024xf32> to vector<128xf32>
    %broadcast_in_dim3A_448 = vector.shape_cast %reduce_min3A_447 : vector<128xf32> to vector<128x1xf32>
    %eq3A_449 = vector.broadcast %broadcast_in_dim3A_448 : vector<128x1xf32> to vector<128x1024xf32>
    %eq3A_450 = arith.cmpf oeq, %convert_element_type3A, %eq3A_449 : vector<128x1024xf32>
    %jit3A_451 = arith.constant 0x7F800000 : f32
    %broadcast_in_dim3A_452 = vector.broadcast %jit3A_451 : f32 to vector<128x1024xf32>
    %select_n3A_453 = arith.select %eq3A_450, %broadcast_in_dim3A_452, %select_n3A_437 : vector<128x1024xi1>, vector<128x1024xf32>
    %reduce_min3A_454 = arith.constant dense<0x7F800000> : vector<128xf32>
    %reduce_min3A_455 = vector.multi_reduction <minimumf>, %select_n3A_453, %reduce_min3A_454 [1] : vector<128x1024xf32> to vector<128xf32>
    %broadcast_in_dim3A_456 = vector.shape_cast %reduce_min3A_455 : vector<128xf32> to vector<128x1xf32>
    %le3A_457 = vector.broadcast %broadcast_in_dim3A_456 : vector<128x1xf32> to vector<128x1024xf32>
    %le3A_458 = arith.cmpf ole, %select_n3A_453, %le3A_457 : vector<128x1024xf32>
    %jit3A_459 = arith.constant 1.024000e+03 : f32
    %broadcast_in_dim3A_460 = vector.broadcast %jit3A_459 : f32 to vector<128x1024xf32>
    %select_n3A_461 = arith.select %le3A_458, %convert_element_type3A, %broadcast_in_dim3A_460 : vector<128x1024xi1>, vector<128x1024xf32>
    %reduce_min3A_462 = arith.constant dense<0x7F800000> : vector<128xf32>
    %reduce_min3A_463 = vector.multi_reduction <minimumf>, %select_n3A_461, %reduce_min3A_462 [1] : vector<128x1024xf32> to vector<128xf32>
    %broadcast_in_dim3A_464 = vector.shape_cast %reduce_min3A_463 : vector<128xf32> to vector<128x1xf32>
    %eq3A_465 = vector.broadcast %broadcast_in_dim3A_464 : vector<128x1xf32> to vector<128x1024xf32>
    %eq3A_466 = arith.cmpf oeq, %convert_element_type3A, %eq3A_465 : vector<128x1024xf32>
    %jit3A_467 = arith.constant 0x7F800000 : f32
    %broadcast_in_dim3A_468 = vector.broadcast %jit3A_467 : f32 to vector<128x1024xf32>
    %select_n3A_469 = arith.select %eq3A_466, %broadcast_in_dim3A_468, %select_n3A_453 : vector<128x1024xi1>, vector<128x1024xf32>
    %reduce_min3A_470 = arith.constant dense<0x7F800000> : vector<128xf32>
    %reduce_min3A_471 = vector.multi_reduction <minimumf>, %select_n3A_469, %reduce_min3A_470 [1] : vector<128x1024xf32> to vector<128xf32>
    %broadcast_in_dim3A_472 = vector.shape_cast %reduce_min3A_471 : vector<128xf32> to vector<128x1xf32>
    %le3A_473 = vector.broadcast %broadcast_in_dim3A_472 : vector<128x1xf32> to vector<128x1024xf32>
    %le3A_474 = arith.cmpf ole, %select_n3A_469, %le3A_473 : vector<128x1024xf32>
    %jit3A_475 = arith.constant 1.024000e+03 : f32
    %broadcast_in_dim3A_476 = vector.broadcast %jit3A_475 : f32 to vector<128x1024xf32>
    %select_n3A_477 = arith.select %le3A_474, %convert_element_type3A, %broadcast_in_dim3A_476 : vector<128x1024xi1>, vector<128x1024xf32>
    %reduce_min3A_478 = arith.constant dense<0x7F800000> : vector<128xf32>
    %reduce_min3A_479 = vector.multi_reduction <minimumf>, %select_n3A_477, %reduce_min3A_478 [1] : vector<128x1024xf32> to vector<128xf32>
    %broadcast_in_dim3A_480 = vector.shape_cast %reduce_min3A_479 : vector<128xf32> to vector<128x1xf32>
    %eq3A_481 = vector.broadcast %broadcast_in_dim3A_480 : vector<128x1xf32> to vector<128x1024xf32>
    %eq3A_482 = arith.cmpf oeq, %convert_element_type3A, %eq3A_481 : vector<128x1024xf32>
    %jit3A_483 = arith.constant 0x7F800000 : f32
    %broadcast_in_dim3A_484 = vector.broadcast %jit3A_483 : f32 to vector<128x1024xf32>
    %select_n3A_485 = arith.select %eq3A_482, %broadcast_in_dim3A_484, %select_n3A_469 : vector<128x1024xi1>, vector<128x1024xf32>
    %reduce_min3A_486 = arith.constant dense<0x7F800000> : vector<128xf32>
    %reduce_min3A_487 = vector.multi_reduction <minimumf>, %select_n3A_485, %reduce_min3A_486 [1] : vector<128x1024xf32> to vector<128xf32>
    %broadcast_in_dim3A_488 = vector.shape_cast %reduce_min3A_487 : vector<128xf32> to vector<128x1xf32>
    %le3A_489 = vector.broadcast %broadcast_in_dim3A_488 : vector<128x1xf32> to vector<128x1024xf32>
    %le3A_490 = arith.cmpf ole, %select_n3A_485, %le3A_489 : vector<128x1024xf32>
    %jit3A_491 = arith.constant 1.024000e+03 : f32
    %broadcast_in_dim3A_492 = vector.broadcast %jit3A_491 : f32 to vector<128x1024xf32>
    %select_n3A_493 = arith.select %le3A_490, %convert_element_type3A, %broadcast_in_dim3A_492 : vector<128x1024xi1>, vector<128x1024xf32>
    %reduce_min3A_494 = arith.constant dense<0x7F800000> : vector<128xf32>
    %reduce_min3A_495 = vector.multi_reduction <minimumf>, %select_n3A_493, %reduce_min3A_494 [1] : vector<128x1024xf32> to vector<128xf32>
    %broadcast_in_dim3A_496 = vector.shape_cast %reduce_min3A_495 : vector<128xf32> to vector<128x1xf32>
    %concatenate3A = tpu.concatenate %broadcast_in_dim3A, %broadcast_in_dim3A_40, %broadcast_in_dim3A_56, %broadcast_in_dim3A_72, %broadcast_in_dim3A_88, %broadcast_in_dim3A_104, %broadcast_in_dim3A_120, %broadcast_in_dim3A_136, %broadcast_in_dim3A_152, %broadcast_in_dim3A_168, %broadcast_in_dim3A_184, %broadcast_in_dim3A_200, %broadcast_in_dim3A_216, %broadcast_in_dim3A_232, %broadcast_in_dim3A_248, %broadcast_in_dim3A_264, %broadcast_in_dim3A_280, %broadcast_in_dim3A_296, %broadcast_in_dim3A_312, %broadcast_in_dim3A_328, %broadcast_in_dim3A_344, %broadcast_in_dim3A_360, %broadcast_in_dim3A_376, %broadcast_in_dim3A_392, %broadcast_in_dim3A_408, %broadcast_in_dim3A_424, %broadcast_in_dim3A_440, %broadcast_in_dim3A_456, %broadcast_in_dim3A_472, %broadcast_in_dim3A_488 in 1 : vector<128x1xf32>, vector<128x1xf32>, vector<128x1xf32>, vector<128x1xf32>, vector<128x1xf32>, vector<128x1xf32>, vector<128x1xf32>, vector<128x1xf32>, vector<128x1xf32>, vector<128x1xf32>, vector<128x1xf32>, vector<128x1xf32>, vector<128x1xf32>, vector<128x1xf32>, vector<128x1xf32>, vector<128x1xf32>, vector<128x1xf32>, vector<128x1xf32>, vector<128x1xf32>, vector<128x1xf32>, vector<128x1xf32>, vector<128x1xf32>, vector<128x1xf32>, vector<128x1xf32>, vector<128x1xf32>, vector<128x1xf32>, vector<128x1xf32>, vector<128x1xf32>, vector<128x1xf32>, vector<128x1xf32> -> vector<128x30xf32>
    %swap3A = arith.constant 0 : index
    %swap3A_497 = arith.constant 0 : index
    %swap3A_498 = arith.constant 0 : index
    %swap3A_499 = vector.load %arg4[%swap3A, %swap3A_497, %swap3A_498] : memref<1x128x30xf32, #tpu.memory_space<vmem>>, vector<1x128x30xf32>
    %swap3A_500 = vector.shape_cast %swap3A_499 : vector<1x128x30xf32> to vector<128x30xf32>
    %swap3A_501 = vector.shape_cast %concatenate3A : vector<128x30xf32> to vector<1x128x30xf32>
    tpu.vector_store %arg4[%swap3A, %swap3A_497, %swap3A_498], %swap3A_501 {strides = array<i32>} : memref<1x128x30xf32, #tpu.memory_space<vmem>>, vector<1x128x30xf32>,
    %concatenate3A_502 = tpu.concatenate %broadcast_in_dim3A_33, %broadcast_in_dim3A_48, %broadcast_in_dim3A_64, %broadcast_in_dim3A_80, %broadcast_in_dim3A_96, %broadcast_in_dim3A_112, %broadcast_in_dim3A_128, %broadcast_in_dim3A_144, %broadcast_in_dim3A_160, %broadcast_in_dim3A_176, %broadcast_in_dim3A_192, %broadcast_in_dim3A_208, %broadcast_in_dim3A_224, %broadcast_in_dim3A_240, %broadcast_in_dim3A_256, %broadcast_in_dim3A_272, %broadcast_in_dim3A_288, %broadcast_in_dim3A_304, %broadcast_in_dim3A_320, %broadcast_in_dim3A_336, %broadcast_in_dim3A_352, %broadcast_in_dim3A_368, %broadcast_in_dim3A_384, %broadcast_in_dim3A_400, %broadcast_in_dim3A_416, %broadcast_in_dim3A_432, %broadcast_in_dim3A_448, %broadcast_in_dim3A_464, %broadcast_in_dim3A_480, %broadcast_in_dim3A_496 in 1 : vector<128x1xf32>, vector<128x1xf32>, vector<128x1xf32>, vector<128x1xf32>, vector<128x1xf32>, vector<128x1xf32>, vector<128x1xf32>, vector<128x1xf32>, vector<128x1xf32>, vector<128x1xf32>, vector<128x1xf32>, vector<128x1xf32>, vector<128x1xf32>, vector<128x1xf32>, vector<128x1xf32>, vector<128x1xf32>, vector<128x1xf32>, vector<128x1xf32>, vector<128x1xf32>, vector<128x1xf32>, vector<128x1xf32>, vector<128x1xf32>, vector<128x1xf32>, vector<128x1xf32>, vector<128x1xf32>, vector<128x1xf32>, vector<128x1xf32>, vector<128x1xf32>, vector<128x1xf32>, vector<128x1xf32> -> vector<128x30xf32>
    %convert_element_type3A_503 = arith.fptosi %concatenate3A_502 : vector<128x30xf32> to vector<128x30xi32>
    %swap3A_504 = arith.constant 0 : index
    %swap3A_505 = arith.constant 0 : index
    %swap3A_506 = arith.constant 0 : index
    %swap3A_507 = vector.load %arg5[%swap3A_504, %swap3A_505, %swap3A_506] : memref<1x128x30xi32, #tpu.memory_space<vmem>>, vector<1x128x30xi32>
    %swap3A_508 = vector.shape_cast %swap3A_507 : vector<1x128x30xi32> to vector<128x30xi32>
    %swap3A_509 = vector.shape_cast %convert_element_type3A_503 : vector<128x30xi32> to vector<1x128x30xi32>
    tpu.vector_store %arg5[%swap3A_504, %swap3A_505, %swap3A_506], %swap3A_509 {strides = array<i32>} : memref<1x128x30xi32, #tpu.memory_space<vmem>>, vector<1x128x30xi32>,
    return
  }
  func.func @transform_0(%arg0: i32, %arg1: i32) -> (i32, i32, i32) {
    %c0_i32 = arith.constant 0 : i32
    %c0_i32_0 = arith.constant 0 : i32
    return %arg0, %arg1, %c0_i32 : i32, i32, i32
  }
  func.func @transform_1(%arg0: i32, %arg1: i32) -> (i32, i32, i32) {
    %c0_i32 = arith.constant 0 : i32
    %c0_i32_0 = arith.constant 0 : i32
    %c0_i32_1 = arith.constant 0 : i32
    return %arg0, %c0_i32, %c0_i32_0 : i32, i32, i32
  }
  func.func @transform_2(%arg0: i32, %arg1: i32) -> (i32, i32, i32) {
    %c0_i32 = arith.constant 0 : i32
    %c0_i32_0 = arith.constant 0 : i32
    return %arg0, %arg1, %c0_i32 : i32, i32, i32
  }
  func.func @transform_3(%arg0: i32, %arg1: i32) -> (i32, i32, i32) {
    %c0_i32 = arith.constant 0 : i32
    %c0_i32_0 = arith.constant 0 : i32
    return %arg0, %arg1, %c0_i32 : i32, i32, i32
  }
}

module attributes {stable_mosaic.version = 14 : i64} {
  func.func @_edge_kernel(%arg0: i32, %arg1: i32, %arg2: memref<1x32x30xf32, #tpu.memory_space<vmem>>, %arg3: memref<1x32x30xf32, #tpu.memory_space<vmem>>, %arg4: memref<1x1024x12xf32, #tpu.memory_space<vmem>>, %arg5: memref<1x32x12xf32, #tpu.memory_space<vmem>>, %arg6: memref<39x256xf32, #tpu.memory_space<vmem>>, %arg7: memref<1x256xf32, #tpu.memory_space<vmem>>, %arg8: memref<1x256xf32, #tpu.memory_space<vmem>>, %arg9: memref<1x256xf32, #tpu.memory_space<vmem>>, %arg10: memref<1x960x256xf32, #tpu.memory_space<vmem>>) attributes {dimension_semantics = [#tpu.dimension_semantics<arbitrary>, #tpu.dimension_semantics<arbitrary>], iteration_bounds = array<i64: 8, 32>, scalar_prefetch = 0 : i64, scratch_operands = 0 : i64, tpu.core_type = #tpu.core_type<tc>, window_params = [{transform_indices = @transform_0, window_bounds = array<i64: 1, 32, 30>}, {transform_indices = @transform_1, window_bounds = array<i64: 1, 32, 30>}, {transform_indices = @transform_2, window_bounds = array<i64: 1, 1024, 12>}, {transform_indices = @transform_3, window_bounds = array<i64: 1, 32, 12>}, {pipeline_mode = #tpu.pipeline_mode<synchronous>, transform_indices = @transform_4, window_bounds = array<i64: 39, 256>}, {pipeline_mode = #tpu.pipeline_mode<synchronous>, transform_indices = @transform_5, window_bounds = array<i64: 1, 256>}, {pipeline_mode = #tpu.pipeline_mode<synchronous>, transform_indices = @transform_6, window_bounds = array<i64: 1, 256>}, {pipeline_mode = #tpu.pipeline_mode<synchronous>, transform_indices = @transform_7, window_bounds = array<i64: 1, 256>}, {transform_indices = @transform_8, window_bounds = array<i64: 1, 960, 256>}]} {
    %get3A = arith.constant 0 : index
    %get3A_0 = arith.constant 0 : index
    %get3A_1 = arith.constant 0 : index
    %get3A_2 = vector.load %arg2[%get3A, %get3A_0, %get3A_1] : memref<1x32x30xf32, #tpu.memory_space<vmem>>, vector<1x32x30xf32>
    %get3A_3 = vector.shape_cast %get3A_2 : vector<1x32x30xf32> to vector<32x30xf32>
    %get3A_4 = arith.constant 0 : index
    %get3A_5 = arith.constant 0 : index
    %get3A_6 = arith.constant 0 : index
    %get3A_7 = vector.load %arg3[%get3A_4, %get3A_5, %get3A_6] : memref<1x32x30xf32, #tpu.memory_space<vmem>>, vector<1x32x30xf32>
    %get3A_8 = vector.shape_cast %get3A_7 : vector<1x32x30xf32> to vector<32x30xf32>
    %get3A_9 = arith.constant 0 : index
    %get3A_10 = arith.constant 0 : index
    %get3A_11 = arith.constant 0 : index
    %get3A_12 = vector.load %arg4[%get3A_9, %get3A_10, %get3A_11] : memref<1x1024x12xf32, #tpu.memory_space<vmem>>, vector<1x1024x12xf32>
    %get3A_13 = vector.shape_cast %get3A_12 : vector<1x1024x12xf32> to vector<1024x12xf32>
    %get3A_14 = arith.constant 0 : index
    %get3A_15 = arith.constant 0 : index
    %get3A_16 = arith.constant 0 : index
    %get3A_17 = vector.load %arg5[%get3A_14, %get3A_15, %get3A_16] : memref<1x32x12xf32, #tpu.memory_space<vmem>>, vector<1x32x12xf32>
    %get3A_18 = vector.shape_cast %get3A_17 : vector<1x32x12xf32> to vector<32x12xf32>
    %iota3A = tpu.iota {dimensions = array<i32: 0>} : vector<960x1xi32>
    %convert_element_type3A = arith.sitofp %iota3A : vector<960x1xi32> to vector<960x1xf32>
    %div3A = arith.constant 3.000000e+01 : f32
    %div3A_19 = vector.broadcast %div3A : f32 to vector<960x1xf32>
    %div3A_20 = arith.divf %convert_element_type3A, %div3A_19 : vector<960x1xf32>
    %floor3A = math.floor %div3A_20 : vector<960x1xf32>
    %mul3A = arith.constant 3.000000e+01 : f32
    %mul3A_21 = vector.broadcast %mul3A : f32 to vector<960x1xf32>
    %mul3A_22 = arith.mulf %mul3A_21, %floor3A : vector<960x1xf32>
    %sub3A = arith.subf %convert_element_type3A, %mul3A_22 : vector<960x1xf32>
    %iota3A_23 = tpu.iota {dimensions = array<i32: 1>} : vector<960x32xi32>
    %convert_element_type3A_24 = arith.sitofp %iota3A_23 : vector<960x32xi32> to vector<960x32xf32>
    %eq3A = vector.broadcast %floor3A : vector<960x1xf32> to vector<960x32xf32>
    %eq3A_25 = arith.cmpf oeq, %eq3A, %convert_element_type3A_24 : vector<960x32xf32>
    %convert_element_type3A_26 = arith.extui %eq3A_25 : vector<960x32xi1> to vector<960x32xi32>
    %convert_element_type3A_27 = arith.sitofp %convert_element_type3A_26 : vector<960x32xi32> to vector<960x32xf32>
    %iota3A_28 = tpu.iota {dimensions = array<i32: 1>} : vector<960x30xi32>
    %convert_element_type3A_29 = arith.sitofp %iota3A_28 : vector<960x30xi32> to vector<960x30xf32>
    %eq3A_30 = vector.broadcast %sub3A : vector<960x1xf32> to vector<960x30xf32>
    %eq3A_31 = arith.cmpf oeq, %eq3A_30, %convert_element_type3A_29 : vector<960x30xf32>
    %convert_element_type3A_32 = arith.extui %eq3A_31 : vector<960x30xi1> to vector<960x30xi32>
    %convert_element_type3A_33 = arith.sitofp %convert_element_type3A_32 : vector<960x30xi32> to vector<960x30xf32>
    %dot_general3A = arith.constant dense<0.000000e+00> : vector<960x30xf32>
    %dot_general3A_34 = tpu.matmul %convert_element_type3A_27, %get3A_3, %dot_general3A {dimension_numbers = #tpu.dot_dimension_numbers<[1], [0], [0], [1], [0, 0, 1, 1], [], []>, precision = #tpu.contract_precision<fp32>, transpose_lhs_hint = false} : vector<960x32xf32>, vector<32x30xf32>, vector<960x30xf32> -> vector<960x30xf32>
    %mul3A_35 = arith.mulf %dot_general3A_34, %convert_element_type3A_33 : vector<960x30xf32>
    %reduce_sum3A = arith.constant dense<0.000000e+00> : vector<960xf32>
    %reduce_sum3A_36 = vector.multi_reduction <add>, %mul3A_35, %reduce_sum3A [1] : vector<960x30xf32> to vector<960xf32>
    %broadcast_in_dim3A = vector.shape_cast %reduce_sum3A_36 : vector<960xf32> to vector<960x1xf32>
    %dot_general3A_37 = arith.constant dense<0.000000e+00> : vector<960x30xf32>
    %dot_general3A_38 = tpu.matmul %convert_element_type3A_27, %get3A_8, %dot_general3A_37 {dimension_numbers = #tpu.dot_dimension_numbers<[1], [0], [0], [1], [0, 0, 1, 1], [], []>, precision = #tpu.contract_precision<fp32>, transpose_lhs_hint = false} : vector<960x32xf32>, vector<32x30xf32>, vector<960x30xf32> -> vector<960x30xf32>
    %mul3A_39 = arith.mulf %dot_general3A_38, %convert_element_type3A_33 : vector<960x30xf32>
    %reduce_sum3A_40 = arith.constant dense<0.000000e+00> : vector<960xf32>
    %reduce_sum3A_41 = vector.multi_reduction <add>, %mul3A_39, %reduce_sum3A_40 [1] : vector<960x30xf32> to vector<960xf32>
    %broadcast_in_dim3A_42 = vector.shape_cast %reduce_sum3A_41 : vector<960xf32> to vector<960x1xf32>
    %dot_general3A_43 = arith.constant dense<0.000000e+00> : vector<960x12xf32>
    %dot_general3A_44 = tpu.matmul %convert_element_type3A_27, %get3A_18, %dot_general3A_43 {dimension_numbers = #tpu.dot_dimension_numbers<[1], [0], [0], [1], [0, 0, 1, 1], [], []>, precision = #tpu.contract_precision<fp32>, transpose_lhs_hint = false} : vector<960x32xf32>, vector<32x12xf32>, vector<960x12xf32> -> vector<960x12xf32>
    %iota3A_45 = tpu.iota {dimensions = array<i32: 1>} : vector<960x1024xi32>
    %convert_element_type3A_46 = arith.sitofp %iota3A_45 : vector<960x1024xi32> to vector<960x1024xf32>
    %eq3A_47 = vector.broadcast %broadcast_in_dim3A : vector<960x1xf32> to vector<960x1024xf32>
    %eq3A_48 = arith.cmpf oeq, %eq3A_47, %convert_element_type3A_46 : vector<960x1024xf32>
    %convert_element_type3A_49 = arith.extui %eq3A_48 : vector<960x1024xi1> to vector<960x1024xi32>
    %convert_element_type3A_50 = arith.sitofp %convert_element_type3A_49 : vector<960x1024xi32> to vector<960x1024xf32>
    %dot_general3A_51 = arith.constant dense<0.000000e+00> : vector<960x12xf32>
    %dot_general3A_52 = tpu.matmul %convert_element_type3A_50, %get3A_13, %dot_general3A_51 {dimension_numbers = #tpu.dot_dimension_numbers<[1], [0], [0], [1], [0, 0, 1, 1], [], []>, precision = #tpu.contract_precision<fp32>, transpose_lhs_hint = false} : vector<960x1024xf32>, vector<1024x12xf32>, vector<960x12xf32> -> vector<960x12xf32>
    %slice3A = vector.extract_strided_slice %dot_general3A_52 {offsets = [0, 9], sizes = [960, 3], strides = [1, 1]} : vector<960x12xf32> to vector<960x3xf32>
    %slice3A_53 = vector.extract_strided_slice %dot_general3A_44 {offsets = [0, 9], sizes = [960, 3], strides = [1, 1]} : vector<960x12xf32> to vector<960x3xf32>
    %sub3A_54 = arith.subf %slice3A, %slice3A_53 : vector<960x3xf32>
    %slice3A_55 = vector.extract_strided_slice %dot_general3A_44 {offsets = [0, 0], sizes = [960, 3], strides = [1, 1]} : vector<960x12xf32> to vector<960x3xf32>
    %mul3A_56 = arith.mulf %slice3A_55, %sub3A_54 : vector<960x3xf32>
    %reduce_sum3A_57 = arith.constant dense<0.000000e+00> : vector<960xf32>
    %reduce_sum3A_58 = vector.multi_reduction <add>, %mul3A_56, %reduce_sum3A_57 [1] : vector<960x3xf32> to vector<960xf32>
    %broadcast_in_dim3A_59 = vector.shape_cast %reduce_sum3A_58 : vector<960xf32> to vector<960x1xf32>
    %slice3A_60 = vector.extract_strided_slice %dot_general3A_44 {offsets = [0, 3], sizes = [960, 3], strides = [1, 1]} : vector<960x12xf32> to vector<960x3xf32>
    %mul3A_61 = arith.mulf %slice3A_60, %sub3A_54 : vector<960x3xf32>
    %reduce_sum3A_62 = arith.constant dense<0.000000e+00> : vector<960xf32>
    %reduce_sum3A_63 = vector.multi_reduction <add>, %mul3A_61, %reduce_sum3A_62 [1] : vector<960x3xf32> to vector<960xf32>
    %broadcast_in_dim3A_64 = vector.shape_cast %reduce_sum3A_63 : vector<960xf32> to vector<960x1xf32>
    %slice3A_65 = vector.extract_strided_slice %dot_general3A_44 {offsets = [0, 6], sizes = [960, 3], strides = [1, 1]} : vector<960x12xf32> to vector<960x3xf32>
    %mul3A_66 = arith.mulf %slice3A_65, %sub3A_54 : vector<960x3xf32>
    %reduce_sum3A_67 = arith.constant dense<0.000000e+00> : vector<960xf32>
    %reduce_sum3A_68 = vector.multi_reduction <add>, %mul3A_66, %reduce_sum3A_67 [1] : vector<960x3xf32> to vector<960xf32>
    %broadcast_in_dim3A_69 = vector.shape_cast %reduce_sum3A_68 : vector<960xf32> to vector<960x1xf32>
    %concatenate3A = tpu.concatenate %broadcast_in_dim3A_59, %broadcast_in_dim3A_64, %broadcast_in_dim3A_69 in 1 : vector<960x1xf32>, vector<960x1xf32>, vector<960x1xf32> -> vector<960x3xf32>
    %mul3A_70 = arith.mulf %concatenate3A, %concatenate3A : vector<960x3xf32>
    %reduce_sum3A_71 = arith.constant dense<0.000000e+00> : vector<960xf32>
    %reduce_sum3A_72 = vector.multi_reduction <add>, %mul3A_70, %reduce_sum3A_71 [1] : vector<960x3xf32> to vector<960xf32>
    %broadcast_in_dim3A_73 = vector.shape_cast %reduce_sum3A_72 : vector<960xf32> to vector<960x1xf32>
    %sqrt3A = math.sqrt %broadcast_in_dim3A_73 : vector<960x1xf32>
    %max3A = arith.constant 9.99999996E-13 : f32
    %max3A_74 = vector.broadcast %max3A : f32 to vector<960x1xf32>
    %max3A_75 = arith.maximumf %sqrt3A, %max3A_74 : vector<960x1xf32>
    %div3A_76 = vector.broadcast %max3A_75 : vector<960x1xf32> to vector<960x3xf32>
    %div3A_77 = arith.divf %concatenate3A, %div3A_76 : vector<960x3xf32>
    %slice3A_78 = vector.extract_strided_slice %dot_general3A_44 {offsets = [0, 0], sizes = [960, 1], strides = [1, 1]} : vector<960x12xf32> to vector<960x1xf32>
    %slice3A_79 = vector.extract_strided_slice %dot_general3A_52 {offsets = [0, 0], sizes = [960, 1], strides = [1, 1]} : vector<960x12xf32> to vector<960x1xf32>
    %mul3A_80 = arith.mulf %slice3A_78, %slice3A_79 : vector<960x1xf32>
    %slice3A_81 = vector.extract_strided_slice %dot_general3A_44 {offsets = [0, 3], sizes = [960, 1], strides = [1, 1]} : vector<960x12xf32> to vector<960x1xf32>
    %slice3A_82 = vector.extract_strided_slice %dot_general3A_52 {offsets = [0, 3], sizes = [960, 1], strides = [1, 1]} : vector<960x12xf32> to vector<960x1xf32>
    %mul3A_83 = arith.mulf %slice3A_81, %slice3A_82 : vector<960x1xf32>
    %add3A = arith.addf %mul3A_80, %mul3A_83 : vector<960x1xf32>
    %slice3A_84 = vector.extract_strided_slice %dot_general3A_44 {offsets = [0, 6], sizes = [960, 1], strides = [1, 1]} : vector<960x12xf32> to vector<960x1xf32>
    %slice3A_85 = vector.extract_strided_slice %dot_general3A_52 {offsets = [0, 6], sizes = [960, 1], strides = [1, 1]} : vector<960x12xf32> to vector<960x1xf32>
    %mul3A_86 = arith.mulf %slice3A_84, %slice3A_85 : vector<960x1xf32>
    %add3A_87 = arith.addf %add3A, %mul3A_86 : vector<960x1xf32>
    %slice3A_88 = vector.extract_strided_slice %dot_general3A_44 {offsets = [0, 1], sizes = [960, 1], strides = [1, 1]} : vector<960x12xf32> to vector<960x1xf32>
    %slice3A_89 = vector.extract_strided_slice %dot_general3A_52 {offsets = [0, 1], sizes = [960, 1], strides = [1, 1]} : vector<960x12xf32> to vector<960x1xf32>
    %mul3A_90 = arith.mulf %slice3A_88, %slice3A_89 : vector<960x1xf32>
    %slice3A_91 = vector.extract_strided_slice %dot_general3A_44 {offsets = [0, 4], sizes = [960, 1], strides = [1, 1]} : vector<960x12xf32> to vector<960x1xf32>
    %slice3A_92 = vector.extract_strided_slice %dot_general3A_52 {offsets = [0, 4], sizes = [960, 1], strides = [1, 1]} : vector<960x12xf32> to vector<960x1xf32>
    %mul3A_93 = arith.mulf %slice3A_91, %slice3A_92 : vector<960x1xf32>
    %add3A_94 = arith.addf %mul3A_90, %mul3A_93 : vector<960x1xf32>
    %slice3A_95 = vector.extract_strided_slice %dot_general3A_44 {offsets = [0, 7], sizes = [960, 1], strides = [1, 1]} : vector<960x12xf32> to vector<960x1xf32>
    %slice3A_96 = vector.extract_strided_slice %dot_general3A_52 {offsets = [0, 7], sizes = [960, 1], strides = [1, 1]} : vector<960x12xf32> to vector<960x1xf32>
    %mul3A_97 = arith.mulf %slice3A_95, %slice3A_96 : vector<960x1xf32>
    %add3A_98 = arith.addf %add3A_94, %mul3A_97 : vector<960x1xf32>
    %slice3A_99 = vector.extract_strided_slice %dot_general3A_44 {offsets = [0, 2], sizes = [960, 1], strides = [1, 1]} : vector<960x12xf32> to vector<960x1xf32>
    %slice3A_100 = vector.extract_strided_slice %dot_general3A_52 {offsets = [0, 2], sizes = [960, 1], strides = [1, 1]} : vector<960x12xf32> to vector<960x1xf32>
    %mul3A_101 = arith.mulf %slice3A_99, %slice3A_100 : vector<960x1xf32>
    %slice3A_102 = vector.extract_strided_slice %dot_general3A_44 {offsets = [0, 5], sizes = [960, 1], strides = [1, 1]} : vector<960x12xf32> to vector<960x1xf32>
    %slice3A_103 = vector.extract_strided_slice %dot_general3A_52 {offsets = [0, 5], sizes = [960, 1], strides = [1, 1]} : vector<960x12xf32> to vector<960x1xf32>
    %mul3A_104 = arith.mulf %slice3A_102, %slice3A_103 : vector<960x1xf32>
    %add3A_105 = arith.addf %mul3A_101, %mul3A_104 : vector<960x1xf32>
    %slice3A_106 = vector.extract_strided_slice %dot_general3A_44 {offsets = [0, 8], sizes = [960, 1], strides = [1, 1]} : vector<960x12xf32> to vector<960x1xf32>
    %slice3A_107 = vector.extract_strided_slice %dot_general3A_52 {offsets = [0, 8], sizes = [960, 1], strides = [1, 1]} : vector<960x12xf32> to vector<960x1xf32>
    %mul3A_108 = arith.mulf %slice3A_106, %slice3A_107 : vector<960x1xf32>
    %add3A_109 = arith.addf %add3A_105, %mul3A_108 : vector<960x1xf32>
    %add3A_110 = arith.constant 1.000000e+00 : f32
    %add3A_111 = vector.broadcast %add3A_110 : f32 to vector<960x1xf32>
    %add3A_112 = arith.addf %add3A_111, %add3A_87 : vector<960x1xf32>
    %sub3A_113 = arith.subf %add3A_112, %add3A_98 : vector<960x1xf32>
    %sub3A_114 = arith.subf %sub3A_113, %add3A_109 : vector<960x1xf32>
    %add3A_115 = arith.constant 1.000000e-10 : f32
    %add3A_116 = vector.broadcast %add3A_115 : f32 to vector<960x1xf32>
    %add3A_117 = arith.addf %sub3A_114, %add3A_116 : vector<960x1xf32>
    %abs3A = math.absf %add3A_117 : vector<960x1xf32>
    %sqrt3A_118 = math.sqrt %abs3A : vector<960x1xf32>
    %mul3A_119 = arith.constant 5.000000e-01 : f32
    %mul3A_120 = vector.broadcast %mul3A_119 : f32 to vector<960x1xf32>
    %mul3A_121 = arith.mulf %mul3A_120, %sqrt3A_118 : vector<960x1xf32>
    %sub3A_122 = arith.constant 1.000000e+00 : f32
    %sub3A_123 = vector.broadcast %sub3A_122 : f32 to vector<960x1xf32>
    %sub3A_124 = arith.subf %sub3A_123, %add3A_87 : vector<960x1xf32>
    %add3A_125 = arith.addf %sub3A_124, %add3A_98 : vector<960x1xf32>
    %sub3A_126 = arith.subf %add3A_125, %add3A_109 : vector<960x1xf32>
    %add3A_127 = arith.constant 1.000000e-10 : f32
    %add3A_128 = vector.broadcast %add3A_127 : f32 to vector<960x1xf32>
    %add3A_129 = arith.addf %sub3A_126, %add3A_128 : vector<960x1xf32>
    %abs3A_130 = math.absf %add3A_129 : vector<960x1xf32>
    %sqrt3A_131 = math.sqrt %abs3A_130 : vector<960x1xf32>
    %mul3A_132 = arith.constant 5.000000e-01 : f32
    %mul3A_133 = vector.broadcast %mul3A_132 : f32 to vector<960x1xf32>
    %mul3A_134 = arith.mulf %mul3A_133, %sqrt3A_131 : vector<960x1xf32>
    %sub3A_135 = arith.constant 1.000000e+00 : f32
    %sub3A_136 = vector.broadcast %sub3A_135 : f32 to vector<960x1xf32>
    %sub3A_137 = arith.subf %sub3A_136, %add3A_87 : vector<960x1xf32>
    %sub3A_138 = arith.subf %sub3A_137, %add3A_98 : vector<960x1xf32>
    %add3A_139 = arith.addf %sub3A_138, %add3A_109 : vector<960x1xf32>
    %add3A_140 = arith.constant 1.000000e-10 : f32
    %add3A_141 = vector.broadcast %add3A_140 : f32 to vector<960x1xf32>
    %add3A_142 = arith.addf %add3A_139, %add3A_141 : vector<960x1xf32>
    %abs3A_143 = math.absf %add3A_142 : vector<960x1xf32>
    %sqrt3A_144 = math.sqrt %abs3A_143 : vector<960x1xf32>
    %mul3A_145 = arith.constant 5.000000e-01 : f32
    %mul3A_146 = vector.broadcast %mul3A_145 : f32 to vector<960x1xf32>
    %mul3A_147 = arith.mulf %mul3A_146, %sqrt3A_144 : vector<960x1xf32>
    %slice3A_148 = vector.extract_strided_slice %dot_general3A_44 {offsets = [0, 2], sizes = [960, 1], strides = [1, 1]} : vector<960x12xf32> to vector<960x1xf32>
    %slice3A_149 = vector.extract_strided_slice %dot_general3A_52 {offsets = [0, 1], sizes = [960, 1], strides = [1, 1]} : vector<960x12xf32> to vector<960x1xf32>
    %mul3A_150 = arith.mulf %slice3A_148, %slice3A_149 : vector<960x1xf32>
    %slice3A_151 = vector.extract_strided_slice %dot_general3A_44 {offsets = [0, 5], sizes = [960, 1], strides = [1, 1]} : vector<960x12xf32> to vector<960x1xf32>
    %slice3A_152 = vector.extract_strided_slice %dot_general3A_52 {offsets = [0, 4], sizes = [960, 1], strides = [1, 1]} : vector<960x12xf32> to vector<960x1xf32>
    %mul3A_153 = arith.mulf %slice3A_151, %slice3A_152 : vector<960x1xf32>
    %add3A_154 = arith.addf %mul3A_150, %mul3A_153 : vector<960x1xf32>
    %slice3A_155 = vector.extract_strided_slice %dot_general3A_44 {offsets = [0, 8], sizes = [960, 1], strides = [1, 1]} : vector<960x12xf32> to vector<960x1xf32>
    %slice3A_156 = vector.extract_strided_slice %dot_general3A_52 {offsets = [0, 7], sizes = [960, 1], strides = [1, 1]} : vector<960x12xf32> to vector<960x1xf32>
    %mul3A_157 = arith.mulf %slice3A_155, %slice3A_156 : vector<960x1xf32>
    %add3A_158 = arith.addf %add3A_154, %mul3A_157 : vector<960x1xf32>
    %slice3A_159 = vector.extract_strided_slice %dot_general3A_44 {offsets = [0, 1], sizes = [960, 1], strides = [1, 1]} : vector<960x12xf32> to vector<960x1xf32>
    %slice3A_160 = vector.extract_strided_slice %dot_general3A_52 {offsets = [0, 2], sizes = [960, 1], strides = [1, 1]} : vector<960x12xf32> to vector<960x1xf32>
    %mul3A_161 = arith.mulf %slice3A_159, %slice3A_160 : vector<960x1xf32>
    %slice3A_162 = vector.extract_strided_slice %dot_general3A_44 {offsets = [0, 4], sizes = [960, 1], strides = [1, 1]} : vector<960x12xf32> to vector<960x1xf32>
    %slice3A_163 = vector.extract_strided_slice %dot_general3A_52 {offsets = [0, 5], sizes = [960, 1], strides = [1, 1]} : vector<960x12xf32> to vector<960x1xf32>
    %mul3A_164 = arith.mulf %slice3A_162, %slice3A_163 : vector<960x1xf32>
    %add3A_165 = arith.addf %mul3A_161, %mul3A_164 : vector<960x1xf32>
    %slice3A_166 = vector.extract_strided_slice %dot_general3A_44 {offsets = [0, 7], sizes = [960, 1], strides = [1, 1]} : vector<960x12xf32> to vector<960x1xf32>
    %slice3A_167 = vector.extract_strided_slice %dot_general3A_52 {offsets = [0, 8], sizes = [960, 1], strides = [1, 1]} : vector<960x12xf32> to vector<960x1xf32>
    %mul3A_168 = arith.mulf %slice3A_166, %slice3A_167 : vector<960x1xf32>
    %add3A_169 = arith.addf %add3A_165, %mul3A_168 : vector<960x1xf32>
    %sub3A_170 = arith.subf %add3A_158, %add3A_169 : vector<960x1xf32>
    %sign3A = tpu.bitcast %sub3A_170 : vector<960x1xf32> -> vector<960x1xi32>
    %sign3A_171 = arith.constant -2147483648 : i32
    %sign3A_172 = vector.broadcast %sign3A_171 : i32 to vector<960x1xi32>
    %sign3A_173 = arith.andi %sign3A, %sign3A_172 : vector<960x1xi32>
    %sign3A_174 = arith.constant 1065353216 : i32
    %sign3A_175 = vector.broadcast %sign3A_174 : i32 to vector<960x1xi32>
    %sign3A_176 = arith.ori %sign3A_175, %sign3A_173 : vector<960x1xi32>
    %sign3A_177 = tpu.bitcast %sign3A_176 : vector<960x1xi32> -> vector<960x1xf32>
    %sign3A_178 = math.absf %sub3A_170 : vector<960x1xf32>
    %sign3A_179 = arith.constant 0.000000e+00 : f32
    %sign3A_180 = vector.broadcast %sign3A_179 : f32 to vector<960x1xf32>
    %sign3A_181 = arith.cmpf ogt, %sign3A_178, %sign3A_180 : vector<960x1xf32>
    %sign3A_182 = arith.select %sign3A_181, %sign3A_177, %sub3A_170 : vector<960x1xi1>, vector<960x1xf32>
    %mul3A_183 = arith.mulf %sign3A_182, %mul3A_121 : vector<960x1xf32>
    %slice3A_184 = vector.extract_strided_slice %dot_general3A_44 {offsets = [0, 0], sizes = [960, 1], strides = [1, 1]} : vector<960x12xf32> to vector<960x1xf32>
    %slice3A_185 = vector.extract_strided_slice %dot_general3A_52 {offsets = [0, 2], sizes = [960, 1], strides = [1, 1]} : vector<960x12xf32> to vector<960x1xf32>
    %mul3A_186 = arith.mulf %slice3A_184, %slice3A_185 : vector<960x1xf32>
    %slice3A_187 = vector.extract_strided_slice %dot_general3A_44 {offsets = [0, 3], sizes = [960, 1], strides = [1, 1]} : vector<960x12xf32> to vector<960x1xf32>
    %slice3A_188 = vector.extract_strided_slice %dot_general3A_52 {offsets = [0, 5], sizes = [960, 1], strides = [1, 1]} : vector<960x12xf32> to vector<960x1xf32>
    %mul3A_189 = arith.mulf %slice3A_187, %slice3A_188 : vector<960x1xf32>
    %add3A_190 = arith.addf %mul3A_186, %mul3A_189 : vector<960x1xf32>
    %slice3A_191 = vector.extract_strided_slice %dot_general3A_44 {offsets = [0, 6], sizes = [960, 1], strides = [1, 1]} : vector<960x12xf32> to vector<960x1xf32>
    %slice3A_192 = vector.extract_strided_slice %dot_general3A_52 {offsets = [0, 8], sizes = [960, 1], strides = [1, 1]} : vector<960x12xf32> to vector<960x1xf32>
    %mul3A_193 = arith.mulf %slice3A_191, %slice3A_192 : vector<960x1xf32>
    %add3A_194 = arith.addf %add3A_190, %mul3A_193 : vector<960x1xf32>
    %slice3A_195 = vector.extract_strided_slice %dot_general3A_44 {offsets = [0, 2], sizes = [960, 1], strides = [1, 1]} : vector<960x12xf32> to vector<960x1xf32>
    %slice3A_196 = vector.extract_strided_slice %dot_general3A_52 {offsets = [0, 0], sizes = [960, 1], strides = [1, 1]} : vector<960x12xf32> to vector<960x1xf32>
    %mul3A_197 = arith.mulf %slice3A_195, %slice3A_196 : vector<960x1xf32>
    %slice3A_198 = vector.extract_strided_slice %dot_general3A_44 {offsets = [0, 5], sizes = [960, 1], strides = [1, 1]} : vector<960x12xf32> to vector<960x1xf32>
    %slice3A_199 = vector.extract_strided_slice %dot_general3A_52 {offsets = [0, 3], sizes = [960, 1], strides = [1, 1]} : vector<960x12xf32> to vector<960x1xf32>
    %mul3A_200 = arith.mulf %slice3A_198, %slice3A_199 : vector<960x1xf32>
    %add3A_201 = arith.addf %mul3A_197, %mul3A_200 : vector<960x1xf32>
    %slice3A_202 = vector.extract_strided_slice %dot_general3A_44 {offsets = [0, 8], sizes = [960, 1], strides = [1, 1]} : vector<960x12xf32> to vector<960x1xf32>
    %slice3A_203 = vector.extract_strided_slice %dot_general3A_52 {offsets = [0, 6], sizes = [960, 1], strides = [1, 1]} : vector<960x12xf32> to vector<960x1xf32>
    %mul3A_204 = arith.mulf %slice3A_202, %slice3A_203 : vector<960x1xf32>
    %add3A_205 = arith.addf %add3A_201, %mul3A_204 : vector<960x1xf32>
    %sub3A_206 = arith.subf %add3A_194, %add3A_205 : vector<960x1xf32>
    %sign3A_207 = tpu.bitcast %sub3A_206 : vector<960x1xf32> -> vector<960x1xi32>
    %sign3A_208 = arith.constant -2147483648 : i32
    %sign3A_209 = vector.broadcast %sign3A_208 : i32 to vector<960x1xi32>
    %sign3A_210 = arith.andi %sign3A_207, %sign3A_209 : vector<960x1xi32>
    %sign3A_211 = arith.constant 1065353216 : i32
    %sign3A_212 = vector.broadcast %sign3A_211 : i32 to vector<960x1xi32>
    %sign3A_213 = arith.ori %sign3A_212, %sign3A_210 : vector<960x1xi32>
    %sign3A_214 = tpu.bitcast %sign3A_213 : vector<960x1xi32> -> vector<960x1xf32>
    %sign3A_215 = math.absf %sub3A_206 : vector<960x1xf32>
    %sign3A_216 = arith.constant 0.000000e+00 : f32
    %sign3A_217 = vector.broadcast %sign3A_216 : f32 to vector<960x1xf32>
    %sign3A_218 = arith.cmpf ogt, %sign3A_215, %sign3A_217 : vector<960x1xf32>
    %sign3A_219 = arith.select %sign3A_218, %sign3A_214, %sub3A_206 : vector<960x1xi1>, vector<960x1xf32>
    %mul3A_220 = arith.mulf %sign3A_219, %mul3A_134 : vector<960x1xf32>
    %slice3A_221 = vector.extract_strided_slice %dot_general3A_44 {offsets = [0, 1], sizes = [960, 1], strides = [1, 1]} : vector<960x12xf32> to vector<960x1xf32>
    %slice3A_222 = vector.extract_strided_slice %dot_general3A_52 {offsets = [0, 0], sizes = [960, 1], strides = [1, 1]} : vector<960x12xf32> to vector<960x1xf32>
    %mul3A_223 = arith.mulf %slice3A_221, %slice3A_222 : vector<960x1xf32>
    %slice3A_224 = vector.extract_strided_slice %dot_general3A_44 {offsets = [0, 4], sizes = [960, 1], strides = [1, 1]} : vector<960x12xf32> to vector<960x1xf32>
    %slice3A_225 = vector.extract_strided_slice %dot_general3A_52 {offsets = [0, 3], sizes = [960, 1], strides = [1, 1]} : vector<960x12xf32> to vector<960x1xf32>
    %mul3A_226 = arith.mulf %slice3A_224, %slice3A_225 : vector<960x1xf32>
    %add3A_227 = arith.addf %mul3A_223, %mul3A_226 : vector<960x1xf32>
    %slice3A_228 = vector.extract_strided_slice %dot_general3A_44 {offsets = [0, 7], sizes = [960, 1], strides = [1, 1]} : vector<960x12xf32> to vector<960x1xf32>
    %slice3A_229 = vector.extract_strided_slice %dot_general3A_52 {offsets = [0, 6], sizes = [960, 1], strides = [1, 1]} : vector<960x12xf32> to vector<960x1xf32>
    %mul3A_230 = arith.mulf %slice3A_228, %slice3A_229 : vector<960x1xf32>
    %add3A_231 = arith.addf %add3A_227, %mul3A_230 : vector<960x1xf32>
    %slice3A_232 = vector.extract_strided_slice %dot_general3A_44 {offsets = [0, 0], sizes = [960, 1], strides = [1, 1]} : vector<960x12xf32> to vector<960x1xf32>
    %slice3A_233 = vector.extract_strided_slice %dot_general3A_52 {offsets = [0, 1], sizes = [960, 1], strides = [1, 1]} : vector<960x12xf32> to vector<960x1xf32>
    %mul3A_234 = arith.mulf %slice3A_232, %slice3A_233 : vector<960x1xf32>
    %slice3A_235 = vector.extract_strided_slice %dot_general3A_44 {offsets = [0, 3], sizes = [960, 1], strides = [1, 1]} : vector<960x12xf32> to vector<960x1xf32>
    %slice3A_236 = vector.extract_strided_slice %dot_general3A_52 {offsets = [0, 4], sizes = [960, 1], strides = [1, 1]} : vector<960x12xf32> to vector<960x1xf32>
    %mul3A_237 = arith.mulf %slice3A_235, %slice3A_236 : vector<960x1xf32>
    %add3A_238 = arith.addf %mul3A_234, %mul3A_237 : vector<960x1xf32>
    %slice3A_239 = vector.extract_strided_slice %dot_general3A_44 {offsets = [0, 6], sizes = [960, 1], strides = [1, 1]} : vector<960x12xf32> to vector<960x1xf32>
    %slice3A_240 = vector.extract_strided_slice %dot_general3A_52 {offsets = [0, 7], sizes = [960, 1], strides = [1, 1]} : vector<960x12xf32> to vector<960x1xf32>
    %mul3A_241 = arith.mulf %slice3A_239, %slice3A_240 : vector<960x1xf32>
    %add3A_242 = arith.addf %add3A_238, %mul3A_241 : vector<960x1xf32>
    %sub3A_243 = arith.subf %add3A_231, %add3A_242 : vector<960x1xf32>
    %sign3A_244 = tpu.bitcast %sub3A_243 : vector<960x1xf32> -> vector<960x1xi32>
    %sign3A_245 = arith.constant -2147483648 : i32
    %sign3A_246 = vector.broadcast %sign3A_245 : i32 to vector<960x1xi32>
    %sign3A_247 = arith.andi %sign3A_244, %sign3A_246 : vector<960x1xi32>
    %sign3A_248 = arith.constant 1065353216 : i32
    %sign3A_249 = vector.broadcast %sign3A_248 : i32 to vector<960x1xi32>
    %sign3A_250 = arith.ori %sign3A_249, %sign3A_247 : vector<960x1xi32>
    %sign3A_251 = tpu.bitcast %sign3A_250 : vector<960x1xi32> -> vector<960x1xf32>
    %sign3A_252 = math.absf %sub3A_243 : vector<960x1xf32>
    %sign3A_253 = arith.constant 0.000000e+00 : f32
    %sign3A_254 = vector.broadcast %sign3A_253 : f32 to vector<960x1xf32>
    %sign3A_255 = arith.cmpf ogt, %sign3A_252, %sign3A_254 : vector<960x1xf32>
    %sign3A_256 = arith.select %sign3A_255, %sign3A_251, %sub3A_243 : vector<960x1xi1>, vector<960x1xf32>
    %mul3A_257 = arith.mulf %sign3A_256, %mul3A_147 : vector<960x1xf32>
    %add3A_258 = arith.constant 1.000000e+00 : f32
    %add3A_259 = vector.broadcast %add3A_258 : f32 to vector<960x1xf32>
    %add3A_260 = arith.addf %add3A_259, %add3A_87 : vector<960x1xf32>
    %add3A_261 = arith.addf %add3A_260, %add3A_98 : vector<960x1xf32>
    %add3A_262 = arith.addf %add3A_261, %add3A_109 : vector<960x1xf32>
    %max3A_263 = arith.constant 0.000000e+00 : f32
    %max3A_264 = vector.broadcast %max3A_263 : f32 to vector<960x1xf32>
    %max3A_265 = arith.maximumf %add3A_262, %max3A_264 : vector<960x1xf32>
    %sqrt3A_266 = math.sqrt %max3A_265 : vector<960x1xf32>
    %div3A_267 = arith.constant 2.000000e+00 : f32
    %div3A_268 = vector.broadcast %div3A_267 : f32 to vector<960x1xf32>
    %div3A_269 = arith.divf %sqrt3A_266, %div3A_268 : vector<960x1xf32>
    %concatenate3A_270 = tpu.concatenate %mul3A_183, %mul3A_220, %mul3A_257, %div3A_269 in 1 : vector<960x1xf32>, vector<960x1xf32>, vector<960x1xf32>, vector<960x1xf32> -> vector<960x4xf32>
    %mul3A_271 = arith.mulf %concatenate3A_270, %concatenate3A_270 : vector<960x4xf32>
    %reduce_sum3A_272 = arith.constant dense<0.000000e+00> : vector<960xf32>
    %reduce_sum3A_273 = vector.multi_reduction <add>, %mul3A_271, %reduce_sum3A_272 [1] : vector<960x4xf32> to vector<960xf32>
    %broadcast_in_dim3A_274 = vector.shape_cast %reduce_sum3A_273 : vector<960xf32> to vector<960x1xf32>
    %sqrt3A_275 = math.sqrt %broadcast_in_dim3A_274 : vector<960x1xf32>
    %max3A_276 = arith.constant 9.99999996E-13 : f32
    %max3A_277 = vector.broadcast %max3A_276 : f32 to vector<960x1xf32>
    %max3A_278 = arith.maximumf %sqrt3A_275, %max3A_277 : vector<960x1xf32>
    %div3A_279 = vector.broadcast %max3A_278 : vector<960x1xf32> to vector<960x4xf32>
    %div3A_280 = arith.divf %concatenate3A_270, %div3A_279 : vector<960x4xf32>
    %convert_element_type3A_281 = arith.sitofp %arg1 : i32 to f32
    %mul3A_282 = arith.constant 3.200000e+01 : f32
    %mul3A_283 = arith.mulf %mul3A_282, %convert_element_type3A_281 : f32
    %add3A_284 = vector.broadcast %mul3A_283 : f32 to vector<960x1xf32>
    %add3A_285 = arith.addf %floor3A, %add3A_284 : vector<960x1xf32>
    %sub3A_286 = arith.subf %broadcast_in_dim3A, %add3A_285 : vector<960x1xf32>
    %iota3A_287 = tpu.iota {dimensions = array<i32: 1>} : vector<1x8xi32>
    %convert_element_type3A_288 = arith.sitofp %iota3A_287 : vector<1x8xi32> to vector<1x8xf32>
    %mul3A_289 = arith.constant -1.15129256 : f32
    %mul3A_290 = vector.broadcast %mul3A_289 : f32 to vector<1x8xf32>
    %mul3A_291 = arith.mulf %convert_element_type3A_288, %mul3A_290 : vector<1x8xf32>
    %exp3A = math.exp %mul3A_291 : vector<1x8xf32>
    %mul3A_292 = vector.broadcast %sub3A_286 : vector<960x1xf32> to vector<960x8xf32>
    %mul3A_293 = vector.broadcast %exp3A : vector<1x8xf32> to vector<960x8xf32>
    %mul3A_294 = arith.mulf %mul3A_292, %mul3A_293 : vector<960x8xf32>
    %cos3A = math.cos %mul3A_294 : vector<960x8xf32>
    %sin3A = math.sin %mul3A_294 : vector<960x8xf32>
    %concatenate3A_295 = tpu.concatenate %cos3A, %sin3A in 1 : vector<960x8xf32>, vector<960x8xf32> -> vector<960x16xf32>
    %iota3A_296 = tpu.iota {dimensions = array<i32: 1>} : vector<1x16xi32>
    %convert_element_type3A_297 = arith.sitofp %iota3A_296 : vector<1x16xi32> to vector<1x16xf32>
    %mul3A_298 = arith.constant 1.33333337 : f32
    %mul3A_299 = vector.broadcast %mul3A_298 : f32 to vector<1x16xf32>
    %mul3A_300 = arith.mulf %convert_element_type3A_297, %mul3A_299 : vector<1x16xf32>
    %sub3A_301 = vector.broadcast %broadcast_in_dim3A_42 : vector<960x1xf32> to vector<960x16xf32>
    %sub3A_302 = vector.broadcast %mul3A_300 : vector<1x16xf32> to vector<960x16xf32>
    %sub3A_303 = arith.subf %sub3A_301, %sub3A_302 : vector<960x16xf32>
    %div3A_304 = arith.constant 1.250000e+00 : f32
    %div3A_305 = vector.broadcast %div3A_304 : f32 to vector<960x16xf32>
    %div3A_306 = arith.divf %sub3A_303, %div3A_305 : vector<960x16xf32>
    %integer_pow3A = arith.mulf %div3A_306, %div3A_306 : vector<960x16xf32>
    %neg3A = arith.constant 0.000000e+00 : f32
    %neg3A_307 = vector.broadcast %neg3A : f32 to vector<960x16xf32>
    %neg3A_308 = arith.subf %neg3A_307, %integer_pow3A : vector<960x16xf32>
    %exp3A_309 = math.exp %neg3A_308 : vector<960x16xf32>
    %concatenate3A_310 = tpu.concatenate %concatenate3A_295, %exp3A_309, %div3A_77, %div3A_280 in 1 : vector<960x16xf32>, vector<960x16xf32>, vector<960x3xf32>, vector<960x4xf32> -> vector<960x39xf32>
    %get3A_311 = arith.constant 0 : index
    %get3A_312 = arith.constant 0 : index
    %get3A_313 = vector.load %arg6[%get3A_311, %get3A_312] : memref<39x256xf32, #tpu.memory_space<vmem>>, vector<39x256xf32>
    %dot_general3A_314 = arith.constant dense<0.000000e+00> : vector<960x256xf32>
    %dot_general3A_315 = tpu.matmul %concatenate3A_310, %get3A_313, %dot_general3A_314 {dimension_numbers = #tpu.dot_dimension_numbers<[1], [0], [0], [1], [0, 0, 1, 1], [], []>, precision = #tpu.contract_precision<fp32>, transpose_lhs_hint = false} : vector<960x39xf32>, vector<39x256xf32>, vector<960x256xf32> -> vector<960x256xf32>
    %get3A_316 = arith.constant 0 : index
    %get3A_317 = arith.constant 0 : index
    %get3A_318 = vector.load %arg7[%get3A_316, %get3A_317] : memref<1x256xf32, #tpu.memory_space<vmem>>, vector<1x256xf32>
    %add3A_319 = vector.broadcast %get3A_318 : vector<1x256xf32> to vector<960x256xf32>
    %add3A_320 = arith.addf %dot_general3A_315, %add3A_319 : vector<960x256xf32>
    %reduce_sum3A_321 = arith.constant dense<0.000000e+00> : vector<960xf32>
    %reduce_sum3A_322 = vector.multi_reduction <add>, %add3A_320, %reduce_sum3A_321 [1] : vector<960x256xf32> to vector<960xf32>
    %broadcast_in_dim3A_323 = vector.shape_cast %reduce_sum3A_322 : vector<960xf32> to vector<960x1xf32>
    %div3A_324 = arith.constant 2.560000e+02 : f32
    %div3A_325 = vector.broadcast %div3A_324 : f32 to vector<960x1xf32>
    %div3A_326 = arith.divf %broadcast_in_dim3A_323, %div3A_325 : vector<960x1xf32>
    %sub3A_327 = vector.broadcast %div3A_326 : vector<960x1xf32> to vector<960x256xf32>
    %sub3A_328 = arith.subf %add3A_320, %sub3A_327 : vector<960x256xf32>
    %integer_pow3A_329 = arith.mulf %sub3A_328, %sub3A_328 : vector<960x256xf32>
    %reduce_sum3A_330 = arith.constant dense<0.000000e+00> : vector<960xf32>
    %reduce_sum3A_331 = vector.multi_reduction <add>, %integer_pow3A_329, %reduce_sum3A_330 [1] : vector<960x256xf32> to vector<960xf32>
    %broadcast_in_dim3A_332 = vector.shape_cast %reduce_sum3A_331 : vector<960xf32> to vector<960x1xf32>
    %div3A_333 = arith.constant 2.560000e+02 : f32
    %div3A_334 = vector.broadcast %div3A_333 : f32 to vector<960x1xf32>
    %div3A_335 = arith.divf %broadcast_in_dim3A_332, %div3A_334 : vector<960x1xf32>
    %sub3A_336 = vector.broadcast %div3A_326 : vector<960x1xf32> to vector<960x256xf32>
    %sub3A_337 = arith.subf %add3A_320, %sub3A_336 : vector<960x256xf32>
    %add3A_338 = arith.constant 9.99999974E-6 : f32
    %add3A_339 = vector.broadcast %add3A_338 : f32 to vector<960x1xf32>
    %add3A_340 = arith.addf %div3A_335, %add3A_339 : vector<960x1xf32>
    %sqrt3A_341 = math.sqrt %add3A_340 : vector<960x1xf32>
    %div3A_342 = vector.broadcast %sqrt3A_341 : vector<960x1xf32> to vector<960x256xf32>
    %div3A_343 = arith.divf %sub3A_337, %div3A_342 : vector<960x256xf32>
    %get3A_344 = arith.constant 0 : index
    %get3A_345 = arith.constant 0 : index
    %get3A_346 = vector.load %arg8[%get3A_344, %get3A_345] : memref<1x256xf32, #tpu.memory_space<vmem>>, vector<1x256xf32>
    %mul3A_347 = vector.broadcast %get3A_346 : vector<1x256xf32> to vector<960x256xf32>
    %mul3A_348 = arith.mulf %div3A_343, %mul3A_347 : vector<960x256xf32>
    %get3A_349 = arith.constant 0 : index
    %get3A_350 = arith.constant 0 : index
    %get3A_351 = vector.load %arg9[%get3A_349, %get3A_350] : memref<1x256xf32, #tpu.memory_space<vmem>>, vector<1x256xf32>
    %add3A_352 = vector.broadcast %get3A_351 : vector<1x256xf32> to vector<960x256xf32>
    %add3A_353 = arith.addf %mul3A_348, %add3A_352 : vector<960x256xf32>
    %swap3A = arith.constant 0 : index
    %swap3A_354 = arith.constant 0 : index
    %swap3A_355 = arith.constant 0 : index
    %swap3A_356 = vector.load %arg10[%swap3A, %swap3A_354, %swap3A_355] : memref<1x960x256xf32, #tpu.memory_space<vmem>>, vector<1x960x256xf32>
    %swap3A_357 = vector.shape_cast %swap3A_356 : vector<1x960x256xf32> to vector<960x256xf32>
    %swap3A_358 = vector.shape_cast %add3A_353 : vector<960x256xf32> to vector<1x960x256xf32>
    tpu.vector_store %arg10[%swap3A, %swap3A_354, %swap3A_355], %swap3A_358 {strides = array<i32>} : memref<1x960x256xf32, #tpu.memory_space<vmem>>, vector<1x960x256xf32>,
    return
  }
  func.func @transform_0(%arg0: i32, %arg1: i32) -> (i32, i32, i32) {
    %c0_i32 = arith.constant 0 : i32
    %c0_i32_0 = arith.constant 0 : i32
    return %arg0, %arg1, %c0_i32 : i32, i32, i32
  }
  func.func @transform_1(%arg0: i32, %arg1: i32) -> (i32, i32, i32) {
    %c0_i32 = arith.constant 0 : i32
    %c0_i32_0 = arith.constant 0 : i32
    return %arg0, %arg1, %c0_i32 : i32, i32, i32
  }
  func.func @transform_2(%arg0: i32, %arg1: i32) -> (i32, i32, i32) {
    %c0_i32 = arith.constant 0 : i32
    %c0_i32_0 = arith.constant 0 : i32
    %c0_i32_1 = arith.constant 0 : i32
    return %arg0, %c0_i32, %c0_i32_0 : i32, i32, i32
  }
  func.func @transform_3(%arg0: i32, %arg1: i32) -> (i32, i32, i32) {
    %c0_i32 = arith.constant 0 : i32
    %c0_i32_0 = arith.constant 0 : i32
    return %arg0, %arg1, %c0_i32 : i32, i32, i32
  }
  func.func @transform_4(%arg0: i32, %arg1: i32) -> (i32, i32) {
    %c0_i32 = arith.constant 0 : i32
    %c0_i32_0 = arith.constant 0 : i32
    %c0_i32_1 = arith.constant 0 : i32
    return %c0_i32, %c0_i32_0 : i32, i32
  }
  func.func @transform_5(%arg0: i32, %arg1: i32) -> (i32, i32) {
    %c0_i32 = arith.constant 0 : i32
    %c0_i32_0 = arith.constant 0 : i32
    %c0_i32_1 = arith.constant 0 : i32
    return %c0_i32, %c0_i32_0 : i32, i32
  }
  func.func @transform_6(%arg0: i32, %arg1: i32) -> (i32, i32) {
    %c0_i32 = arith.constant 0 : i32
    %c0_i32_0 = arith.constant 0 : i32
    %c0_i32_1 = arith.constant 0 : i32
    return %c0_i32, %c0_i32_0 : i32, i32
  }
  func.func @transform_7(%arg0: i32, %arg1: i32) -> (i32, i32) {
    %c0_i32 = arith.constant 0 : i32
    %c0_i32_0 = arith.constant 0 : i32
    %c0_i32_1 = arith.constant 0 : i32
    return %c0_i32, %c0_i32_0 : i32, i32
  }
  func.func @transform_8(%arg0: i32, %arg1: i32) -> (i32, i32, i32) {
    %c0_i32 = arith.constant 0 : i32
    %c0_i32_0 = arith.constant 0 : i32
    return %arg0, %arg1, %c0_i32 : i32, i32, i32
  }
}

</mosaic_0001>

<sc_bundles>
// kernel: sparse-core-data-format-call.cloned.1.call-start
scs
called_computation_lowered:
.L_overlay_start_0:
0x0: {  	s2 =	sld [smem:$0x3FD9]  }
0x1: {  	s3 =	sld [smem:$0x3FFE];
	_ =	sdelay $0x1  }
0x2: {  	s1 =	srdreg.scid  }
0x3: {  	s0 =	sand.u32 $0x1, s1  }
0x4: {  	s15 =	sshll.u32 s0, $0xA;
	s2 =	sadd.s32 s3, s2  }
0x5: {  	s2 =	sadd.s32 s2, s15  }
0x6: {  	[smem:$0x3FBF] =	sst s2  }
0x7: {  	_ = 	snop  }
0x8: {  	s2 =	sld [smem:$0x3FD0];
	_ =	sdelay $0x2  }
0x9: {  	s16 =	simm.s32 $0xA;
	s4 =	simm.s32 $0x10  }
0xa: {  	[smem:s4], [sflag:s16] =	dma.local [hbm:s2], $0x1  }
0xb: {  	_ =	swait.eq [sflag:s16], $0x1  }
0xc: {  	[sflag:s16] =	ssyncset.done $0x0  }
0xd: {  	[sflag:s16] =	ssyncadd.s32 $0xFFFFFFFF  }
0xe: {  	s17 =	sld [smem:$0x11];
	(tm) =	ssettm $0x1  }
0xf: {  	s18 =	sld [smem:$0x3FFB];
	_ =	sdelay $0x3  }
0x10: {  	_ =	strace s18  }
0x11: {  	s3 =	sld [smem:$0x3FFC];
	_ =	sdelay $0x3  }
0x12: {  	_ =	strace s3  }
0x13: {  	s3 =	sld [smem:$0x3FFD];
	_ =	sdelay $0x3  }
0x14: {  	_ =	strace s3  }
0x15: {  	_ =	strace $0x8FFFFFFF  }
0x16: {  	s19 =	sld [smem:$0x3FDB];
	_ =	sdelay $0x1  }
0x17: {  	s20 =	simm.s32 $_scs_section_size  }
0x18: {  	s5 =	simm.s32 $_size__tile_overlayer_lowered;
	s6 =	simm.s32 $_tile_overlayer_lowered  }
0x19: {  	s23 =	simm.s32 $0x1BFF;
	s22 =	sshll.u32 s6, $0x1;
	s3 =	sadd.s32 s20, s19  }
0x1a: {  	s7 =	simm.s32 $0x0;
	s21 =	sshll.u32 s5, $0x1;
	s5 =	sadd.s32 s22, s3  }
0x1b: {  	[timem:s7], [sflag:s23] =	dma.local [hbm:s5], s21  }
0x1c: {  	_ =	swait.ge [sflag:s23], s21  }
0x1d: {  	s4 =	ssub.s32 $0x0, s21;
	[sflag:s23] =	ssyncset.done $0x0  }
0x1e: {  	[sflag:s23] =	ssyncadd.s32 s4;
	_ =	sdelay $0x1  }
0x1f: {  	s24 =	simm.s32 $0x1B8B  }
0x20: {  	_ =	swait.ge [sflag:s24], $0x1  }
0x21: {  	[sflag:s24] =	ssyncset.done $0x0  }
0x22: {  	s26 =	simm.s32 $0x1B8E;
	s25 =	sld [smem:$0x3FFE];
	[sflag:s24] =	ssyncadd.s32 $0xFFFFFFFF  }
0x23: {  	s27 =	simm.s32 $execute0_lowered;
	[smem:$0x3FD2] =	sst s26  }
0x24: {  	s5 =	sshll.u32 s27, $0x1;
	_ =	strace $0x80000046;
	[dreg:$0x1] =	wrdreg $0xFFFFFFFF  }
0x25: {  	s28 =	simm.s32 $_size_execute0_lowered;
	s3 =	sadd.s32 s3, s5;
	[dreg:$0x0] =	wrdreg $0x0  }
0x26: {  	s5 =	sshll.u32 s28, $0x1;
	[dreg:$0x2] =	wrdreg s3  }
0x27: {  	[dreg:$0x3] =	wrdreg s5  }
0x28: {  	[dreg:$0x4] =	wrdreg $0xC0  }
0x29: {  	_ =	task [dreg:s7], $0x5FFFF  }
0x2a: {  	[dreg:$0x1] =	wrdreg $0xFFFFFFFF  }
0x2b: {  	[dreg:$0x0] =	wrdreg $0x60  }
0x2c: {  	[dreg:$0x2] =	wrdreg s25  }
0x2d: {  	[dreg:$0x3] =	wrdreg s17  }
0x2e: {  	[dreg:$0x4] =	wrdreg $0x9  }
0x2f: {  	_ =	task.clear_ibuf [dreg:s7], $0x5FFFF;
	_ =	strace $0x90000046  }
0x30: {  	s29 =	simm.s32 $0x9;
	_ =	strace $0x80000048  }
0x31: {  	_ =	swait.ge [sflag:s29], $0x1  }
0x32: {  	[sflag:s29] =	ssyncadd.s32 $0xFFFFFFFF  }
0x33: {  	_ =	strace $0x90000048  }
0x34: {  	_ =	sfence  }
0x35: {  	s30 =	sld [smem:$0x0];
	_ =	sdelay $0x2  }
0x36: {  	s31 =	sshll.u32 s1, $0xD;
	s1 =	sshrl.u32 s1, $0x2  }
0x37: {  	s3 =	sand.u32 $0x4000, s31;
	s1 =	sadd.s32 s1, s30  }
0x38: {  	s0 =	sor.u32 s3, s0;
	s1 =	sshll.u32 s1, $0x11  }
0x39: {  	s0 =	sor.u32 s1, s0  }
0x3a: {  	s0 =	sadd.s32 $0x8F2B, s0  }
0x3b: {  	[sflag:s0] =	ssyncadd.remote.s32 $0x1  }
0x3c: {  	_ =	sfence.sel $0xFFFF  }
0x3d: {  	[dreg:$0x0] =	wrdreg $0xFFFFFFFF;
	(pc) =	sbr.abs _section_cstart, $3  }
0x3e: {  	[dreg:$0x1] =	wrdreg $0xFFFFFFFF  }
0x3f: {  	_ =	task.clear_ibuf [dreg:s7], $0x2FFFF;
	_ =	strace $0x9FFFFFFF  }
0x40: {  	(tm) =	ssettm $0x7FFFFFFF  }
0x41: {  	_ =	shalt  }
tec
execute0_lowered:
.L_overlay_start_1:
0x0: {  	(tag) =	ssettag $0x1  }
0x1: {  	s0 =	srdreg.scid  }
0x2: {  	s1 =	sshll.u32 s0, $0x4  }
0x3: {  	s0 =	stileid.u32;
	s1 =	sand.u32 $0x10, s1  }
0x4: {  	s6 =	rddreg [dreg:$0x0];
	s4 =	simm.s32 $0x1;
	s1 =	sor.u32 s0, s1  }
0x5: {  	s7 =	simm.s32 $0x2;
	s14 =	simm.s32 $0x0;
	s2 =	sshll.u32 s1, $0x3  }
0x6: {  	s8 =	simm.s32 $0x800;
	s9 =	simm.s32 $0x780000;
	s1 =	ssub.s32 $0x400, s2  }
0x7: {  	s10 =	simm.s32 $0x0;
	s15 =	simm.s32 $0x0;
	s3 =	sand.u32 $0xF8, s1  }
0x8: {  	s11 =	simm.s32 $0x0;
	s5 =	sshrl.u32 s1, $0x8;
	p0 =	sne.s32 s3, $0x0  }
.Ltmp0:
0x9: {  	s1 =	rddreg [dreg:$0x2];
	s4 =	simm.s32 @!p0 $0x0;
	(pc) =	sbr.rel .LBB1_1-.Ltmp0, $4  }
0xa: {  	s13 =	simm.s32 $0x0;
	s3 =	rddreg [dreg:$0x1];
	s5 =	sadd.s32 s4, s5  }
0xb: {  	_ =	strace $0x80000047;
	s4 =	simm.s32 $0x1;
	s5 =	smul.u32 $0x1E, s5  }
0xc: {  	s21 =	simm.s32 $0x0;
	s6 =	sadd.s32 $0x41600, s6;
	[sflag:s4] =	ssyncpa.u1 $0x0  }
0xd: {  	s12 =	smov.u32 s2;
	[sflag:s7] =	ssyncpa.u1 $0x0;
	s7 =	sor.u32 $0x1, s5  }
.LBB1_7:
0xe: {  	s16 =	sadd.s32 $0x1, s11  }
0xf: {  	s14 =	sadd.s32 $0x100, s12;
	s18 =	smov.u32 s12;
	p1 =	sgt.s32 s16, $0x1D  }
0x10: {  	s18 =	smov.u32 @p1 s14  }
0x11: {  	s16 =	simm.s32 @p1 $0x0;
	p1 =	sgt.s32 s18, $0x3FF  }
0x12: {  	s18 =	smov.u32 @p1 s2;
	p1 =	sne.s32 s13, s7  }
.Ltmp1:
0x13: {  	p0 =	slt.u32 s13, $0x2;
	(pc) =	sbr.rel @!p1 .LBB1_8-.Ltmp1, $4  }
0x14: {  	s17 =	simm.s32 @!p0 $0x2  }
0x15: {  	s15 =	smov.u32 s12;
	s10 =	sadd.s32 $0x4000, s10;
	_ =	swait.ge @!p0 [sflag:s17], $0x4000  }
0x16: {  	s14 =	smov.u32 s11;
	[sflag:s17] =	ssyncset.done @!p0 $0x0;
	s11 =	smov.u32 s16  }
0x17: {  	s13 =	sadd.s32 $0x1, s13;
	[sflag:s17] =	ssyncadd.s32 @!p0 $0xFFFFC000;
	s12 =	smov.u32 s18  }
.LBB1_1:
0x18: {  	p0 =	sge.u32 s13, s5  }
0x19: {  	s17 =	smul.u32 @!p0 $0x1E00, s12  }
0x1a: {  	s31 =	sadd.s32 $0xFFFFFFFF, s13;
	s16 =	sxor.u32 @!p0 $0xFFFFFFFF, s13;
	s18 =	sshll.u32 @!p0 s11, $0x8  }
0x1b: {  	s19 =	simm.s32 @!p0 $0xF000;
	s16 =	sshll.u32 @!p0 s16, $0xE;
	s17 =	sadd.s32 @!p0 s6, s17  }
0x1c: {  	s16 =	sand.u32 @!p0 $0x4000, s16;
	s17 =	sadd.s32 @!p0 s18, s17;
	s18 =	simm.s32 @!p0 $0x800  }
0x1d: {  	[tilespmem:s16], [sflag:$0x1] =	stream.strided.gather @!p0 [hbm4b:s17+s18], $0x4000, s19, s18, $0x38;
	[tilespmem:$0x10000] =	vst v63  }
0x1e: {  	p0 =	sge.u32 s31, s5  }
.Ltmp2:
0x1f: {  	_ = 	snop;
	(pc) =	sbr.rel @p0 .LBB1_7-.Ltmp2, $1  }
0x20: {  	_ =	sdelay $0x3  }
0x21: {  	s16 =	sshll.u32 s10, $0x2;
	_ =	swait.ge [sflag:s4], $0x4000;
	s31 =	sshll.u32 s13, $0xE  }
0x22: {  	p0 =	por $0x0, $0x0;
	s22 =	simm.s32 $0x0;
	s23 =	simm.s32 $0x0  }
0x23: {  	s16 =	sand.u32 $0x10000, s16;
	[sflag:s4] =	ssyncset.done $0x0;
	s19 =	sand.u32 $0x4000, s31  }
0x24: {  	s20 =	sshrl.u32 s16, $0x2;
	[sflag:s4] =	ssyncadd.s32 $0xFFFFC000;
	s16 =	sor.u32 $0x8000, s19  }
0x25: {  	s17 =	sor.u32 $0x40, s20;
	s18 =	sor.u32 $0x8410, s20;
	s20 =	sadd.s32 $0x8400, s20  }
.LBB1_3:
0x26: {  	v1 =	vld [tilespmem:s17+$0xFFFFFFD0]  }
0x27: {  	v2 =	vld [tilespmem:s17+$0x430]  }
0x28: {  	s24 =	sshll.u32 s23, $0xB;
	v4 =	vld [tilespmem:s17+$0xFFFFFFE0]  }
0x29: {  	v7 =	vld [tilespmem:s17+$0xFFFFFFF0];
	v0 =	vmov s24  }
0x2a: {  	v8 =	vld [tilespmem:s17+$0x0]  }
0x2b: {  	s30 =	sand.u32 $0x300, s21;
	v9 =	vld [tilespmem:s17+$0x10]  }
0x2c: {  	s25 =	sand.u32 $0x80, s21;
	v10 =	vld [tilespmem:s17+$0x20];
	s24 =	sadd.s32 s30, s19  }
0x2d: {  	v11 =	vld [tilespmem:s17+$0x30];
	s24 =	sadd.s32 s25, s24;
	s25 =	simm.s32 $0x1;
	[tilespmem:s18+$0x60] =	vst v2  }
0x2e: {  	s31 =	sshll.u32 s22, $0x2;
	s25 =	simm.s32 @!p0 $0x0;
	[tilespmem:s18+$0xFFFFFC00] =	vst v1;
	v3 =	vld.idx.msk [tilespmem:v0+s24+$0x400 ss:$0x1], $0xffff  }
0x2f: {  	v6 =	vld [tilespmem:s17+$0x3D0];
	s25 =	sshll.u32 s25, $0x9;
	[tilespmem:s18+$0xFFFFFC10] =	vst v4;
	s24 =	sand.u32 $0xFFFFFC00, s31  }
0x30: {  	v5 =	vld [tilespmem:s17+$0x3E0];
	[tilespmem:s18+$0xFFFFFC20] =	vst v7;
	s24 =	sor.u32 s25, s24  }
0x31: {  	[tilespmem:s18+$0xFFFFFC30] =	vst v8;
	v4 =	vld [tilespmem:s17+$0x400];
	s24 =	sshrl.u32 s24, $0x2  }
0x32: {  	[tilespmem:s18+$0xFFFFFC40] =	vst v9;
	v1 =	vld [tilespmem:s17+$0x410];
	s24 =	sadd.s32 s24, s20  }
0x33: {  	[tilespmem:s24+$0x0] =	vst v3;
	v3 =	vld [tilespmem:s17+$0x3F0]  }
0x34: {  	s28 =	simm.s32 $0x80;
	s27 =	simm.s32 $0x100;
	[tilespmem:s18+$0xFFFFFC50] =	vst v10;
	v2 =	vld [tilespmem:s17+$0x420]  }
0x35: {  	s26 =	smov.u32 s18;
	s29 =	sand.u32 $0x300, s28;
	v7 =	vld [tilespmem:s17+$0xFFFFFFC0];
	[tilespmem:s18+$0xFFFFFC60] =	vst v11;
	s25 =	sadd.s32 $0x80, s17  }
.LBB1_4:
0x36: {  	p1 =	sne.s32 s27, $0x380;
	v8 =	vld [tilespmem:s25+$0xFFFFFFD0];
	s28 =	sand.u32 $0x80, s28;
	s29 =	sadd.s32 s29, s19;
	[tilespmem:s26+$0x0] =	vst v6  }
0x37: {  	s29 =	sadd.s32 s28, s29;
	v6 =	vld [tilespmem:s25+$0x430];
	[tilespmem:s26+$0x10] =	vst v5;
	s28 =	smov.u32 s27  }
0x38: {  	v5 =	vld.idx.msk [tilespmem:v0+s29+$0x400 ss:$0x1], $0xffff;
	[tilespmem:s26+$0x20] =	vst v3  }
0x39: {  	v3 =	vld [tilespmem:s25+$0xFFFFFFE0];
	[tilespmem:s26+$0x30] =	vst v4  }
0x3a: {  	v4 =	vld [tilespmem:s25+$0xFFFFFFF0];
	[tilespmem:s26+$0xFFFFFBF0] =	vst v7  }
0x3b: {  	v7 =	vld [tilespmem:s25+$0x0];
	[tilespmem:s26+$0x40] =	vst v1  }
0x3c: {  	v1 =	vld [tilespmem:s25+$0x10];
	[tilespmem:s26+$0x50] =	vst v2;
	s26 =	sadd.s32 $0x800, s26  }
0x3d: {  	s24 =	sadd.s32 $0x800, s24;
	v2 =	vld [tilespmem:s25+$0x20];
	[tilespmem:s26+$0x60] =	vst v6  }
0x3e: {  	v9 =	vld [tilespmem:s25+$0x30];
	[tilespmem:s24+$0x0] =	vst v5  }
0x3f: {  	[tilespmem:s26+$0xFFFFFC00] =	vst v8;
	v6 =	vld [tilespmem:s25+$0x3D0]  }
0x40: {  	[tilespmem:s26+$0xFFFFFC10] =	vst v3;
	v5 =	vld [tilespmem:s25+$0x3E0]  }
.Ltmp3:
0x41: {  	[tilespmem:s26+$0xFFFFFC20] =	vst v4;
	v3 =	vld [tilespmem:s25+$0x3F0];
	(pc) =	sbr.rel @p1 .LBB1_4-.Ltmp3, $4  }
0x42: {  	[tilespmem:s26+$0xFFFFFC30] =	vst v7;
	v4 =	vld [tilespmem:s25+$0x400]  }
0x43: {  	[tilespmem:s26+$0xFFFFFC40] =	vst v1;
	v1 =	vld [tilespmem:s25+$0x410]  }
0x44: {  	[tilespmem:s26+$0xFFFFFC50] =	vst v2;
	v2 =	vld [tilespmem:s25+$0x420]  }
0x45: {  	s27 =	sadd.s32 $0x80, s27;
	s29 =	sand.u32 $0x300, s28;
	v7 =	vld [tilespmem:s25+$0xFFFFFFC0];
	[tilespmem:s26+$0xFFFFFC60] =	vst v9;
	s25 =	sadd.s32 $0x80, s25  }
0x46: {  	[tilespmem:s26+$0x0] =	vst v6  }
0x47: {  	[tilespmem:s26+$0x10] =	vst v5  }
0x48: {  	v49 =	vld [tilespmem:s25+$0x430];
	[tilespmem:s26+$0x20] =	vst v3  }
0x49: {  	v50 =	vld [tilespmem:s25+$0xFFFFFFD0];
	[tilespmem:s26+$0x30] =	vst v4  }
0x4a: {  	v51 =	vld [tilespmem:s25+$0xFFFFFFE0];
	[tilespmem:s26+$0x40] =	vst v1  }
0x4b: {  	v52 =	vld [tilespmem:s25+$0xFFFFFFF0];
	[tilespmem:s26+$0x50] =	vst v2  }
0x4c: {  	s31 =	sadd.s32 $0x800, s26;
	v53 =	vld [tilespmem:s25+$0x0];
	[tilespmem:s26+$0xFFFFFBF0] =	vst v7  }
0x4d: {  	v54 =	vld [tilespmem:s25+$0x10];
	[tilespmem:s31+$0x60] =	vst v49  }
0x4e: {  	v55 =	vld [tilespmem:s25+$0x20];
	[tilespmem:s31+$0xFFFFFC00] =	vst v50  }
0x4f: {  	v56 =	vld [tilespmem:s25+$0x30];
	[tilespmem:s31+$0xFFFFFC10] =	vst v51  }
0x50: {  	v57 =	vld [tilespmem:s25+$0x3D0];
	[tilespmem:s31+$0xFFFFFC20] =	vst v52  }
0x51: {  	v58 =	vld [tilespmem:s25+$0x3E0];
	[tilespmem:s31+$0xFFFFFC30] =	vst v53  }
0x52: {  	v59 =	vld [tilespmem:s25+$0x3F0];
	[tilespmem:s31+$0xFFFFFC40] =	vst v54  }
0x53: {  	v60 =	vld [tilespmem:s25+$0x400];
	[tilespmem:s31+$0xFFFFFC50] =	vst v55  }
0x54: {  	v61 =	vld [tilespmem:s25+$0xFFFFFFC0];
	[tilespmem:s31+$0xFFFFFC60] =	vst v56  }
0x55: {  	s27 =	sand.u32 $0x80, s28;
	s30 =	sadd.s32 s29, s19;
	v62 =	vld [tilespmem:s25+$0x410];
	[tilespmem:s31+$0x0] =	vst v57  }
0x56: {  	v63 =	vld [tilespmem:s25+$0x420];
	s23 =	sadd.s32 $0x1, s23;
	s27 =	sadd.s32 s27, s30;
	[tilespmem:s31+$0x10] =	vst v58  }
0x57: {  	p1 =	sne.s32 s23, $0x8;
	v0 =	vld.idx.msk [tilespmem:v0+s27+$0x400 ss:$0x1], $0xffff;
	[tilespmem:s31+$0x20] =	vst v59  }
.Ltmp4:
0x58: {  	[tilespmem:s31+$0x30] =	vst v60;
	(pc) =	sbr.rel @p1 .LBB1_3-.Ltmp4, $4  }
0x59: {  	[tilespmem:s31+$0xFFFFFBF0] =	vst v61  }
0x5a: {  	[tilespmem:s31+$0x40] =	vst v62  }
0x5b: {  	s24 =	sadd.s32 $0x800, s24;
	s17 =	sadd.s32 $0x800, s17;
	[tilespmem:s31+$0x50] =	vst v63  }
0x5c: {  	s22 =	sadd.s32 $0x80, s22;
	p0 =	por !p0, !p0;
	s18 =	sadd.s32 $0x80, s18;
	[tilespmem:s24+$0x0] =	vst v0  }
0x5d: {  	s17 =	sshll.u32 s15, $0x8;
	s31 =	sshll.u32 s15, $0x7  }
.Ltmp5:
0x5e: {  	s17 =	sand.u32 $0x3F800, s17;
	s15 =	sand.u32 $0x380, s31;
	(pc) =	sbr.rel .LBB1_7-.Ltmp5, $4  }
0x5f: {  	s14 =	sshll.u32 s14, $0xF;
	s15 =	sor.u32 s15, s17  }
0x60: {  	s14 =	sadd.s32 s3, s14;
	s15 =	sshrl.u32 s15, $0x3  }
0x61: {  	s14 =	sadd.s32 s15, s14  }
0x62: {  	[hbm4b:s14+s8] =	stream.strided.scatter [tilespmem:s16], [sflag:$0x2], $0x4000, s9, s8, $0x38;
	[tilespmem:$0x10000] =	vst v63  }
.LBB1_8:
0x63: {  	_ =	sfence.sel $0x180000  }
0x64: {  	s2 =	simm.s32 $0x1;
	[bflag:$0x0] =	sbarrier.arrive $0xFFFF  }
0x65: {  	s31 =	simm.s32 $0x2;
	[sflag:s2] =	ssyncpa.u1 $0x1  }
0x66: {  	[sflag:s31] =	ssyncpa.u1 $0x1  }
0x67: {  	p0 =	sne.s32 s0, $0x0;
	_ =	strace $0x90000047  }
0x68: {  	s0 =	sadd.s32 @!p0 $0x100000, s1;
	[bflag:$0x2] =	sbarrier.arrive $0xFFFF  }
0x69: {  	[sflag:s0] =	ssyncadd.tile.s32 @!p0 $0x1;
	_ =	shalt  }
.Lfunc_end1:
_tile_overlayer_lowered:
.L_overlay_start_2:
0x6a: {  	(tag) =	ssettag $0x2  }
0x6b: {  	s0 =	rddreg [dreg:$0x0];
	s2 =	stileid.u32  }
0x6c: {  	s1 =	rddreg [dreg:$0x1];
	p0 =	sne.s32 s2, $0x0  }
0x6d: {  	s3 =	rddreg [dreg:$0x2];
	[bflag:$0x3] =	sbarrier.arrive $0xFFFF;
	s2 =	simm.s32 @!p0 $0x1C01  }
0x6e: {  	[timem:s3], [sflag:s2] =	dma.local @!p0 [hbm:s0], s1  }
0x6f: {  	s0 =	simm.s32 @!p0 $0x1  }
0x70: {  	_ =	swait.ge @!p0 [sflag:s0], s1  }
0x71: {  	s1 =	ssub.s32 @!p0 $0x0, s1;
	[sflag:s0] =	ssyncset.done @!p0 $0x0  }
0x72: {  	[sflag:s0] =	ssyncadd.s32 @!p0 s1  }
0x73: {  	[bflag:$0x3] =	sbarrier.arrive $0xFFFF  }
0x74: {  	_ =	shalt  }

</sc_bundles>
